<compile_context>
chip_gen: v7x
topology: tpu7x:2x2x1
jax: 0.10.2.dev20260603
libtpu: 0.0.44.dev20260713+nightly
codegen_flags: <defaults>
</compile_context>

<pallas_src>
import functools

import jax
import jax.numpy as jnp
from jax import lax
from jax.experimental import pallas as pl
from jax.experimental.pallas import tpu as pltpu
from jax.experimental.pallas import tpu_sc as plsc

_NC = 2
_NS = 16
_NW = _NC * _NS

_ROWS_PER_STREAM = 128
_STREAMS_PER_SUPER = 8


def _sc_gather(table_flat, idx):
    n_rows, d = table_flat.shape
    nw, groups, rps = idx.shape
    assert nw == _NW and rps == _ROWS_PER_STREAM
    assert groups % _STREAMS_PER_SUPER == 0
    supers = groups // _STREAMS_PER_SUPER
    rows_per_super = _STREAMS_PER_SUPER * rps
    ipw = groups * rps
    total = nw * ipw

    mesh = plsc.VectorSubcoreMesh(
        core_axis_name="c", subcore_axis_name="s",
        num_cores=_NC, num_subcores=_NS)

    @functools.partial(
        pl.kernel,
        mesh=mesh,
        compiler_params=pltpu.CompilerParams(use_tc_tiling_on_sc=False),
        out_type=jax.ShapeDtypeStruct((total, d), table_flat.dtype),
        scratch_types=[
            pltpu.VMEM((groups, rps), jnp.int32),
            pltpu.VMEM((rows_per_super, d), table_flat.dtype),
            pltpu.SemaphoreType.DMA,
        ],
    )
    def gather_kernel(tbl_hbm, idx_hbm, out_hbm, idx_v, rows_v, sem):
        wid = lax.axis_index("s") * _NC + lax.axis_index("c")
        base = wid * ipw
        pltpu.sync_copy(idx_hbm.at[wid], idx_v)

        @pl.loop(0, supers)
        def _super(sp):
            cps = []
            for j in range(_STREAMS_PER_SUPER):
                g = sp * _STREAMS_PER_SUPER + j
                cps.append(pltpu.async_copy(
                    tbl_hbm.at[idx_v.at[g]],
                    rows_v.at[pl.ds(j * rps, rps)],
                    sem))
            for cp in cps:
                cp.wait()
            pltpu.sync_copy(
                rows_v, out_hbm.at[pl.ds(base + sp * rows_per_super, rows_per_super)])

    return gather_kernel(table_flat, idx)


_VC = 2048
_QR = 512


_CB = 2


_FB = 13


def _transpose_body(tt_ref, out_ref):
    for g in range(tt_ref.shape[0]):
        x = tt_ref[g]
        for c in range(_CB):
            big = jnp.concatenate(
                [x[:, c * _VC + a * _QR: c * _VC + (a + 1) * _QR]
                 for a in range(4)], axis=0)
            out_ref[g, c * _QR:(c + 1) * _QR, :] = jnp.swapaxes(big, 0, 1)


def _tc_transpose(tt):
    f, d, v = tt.shape
    fb = _FB if f % _FB == 0 else 1
    steps = (v + _CB * _VC - 1) // (_CB * _VC)
    chunks = steps * _CB
    return pl.pallas_call(
        _transpose_body,
        grid=(f // fb, steps),
        in_specs=[pl.BlockSpec((fb, d, _CB * _VC), lambda i, j: (i, 0, j))],
        out_specs=pl.BlockSpec((fb, _CB * _QR, 128), lambda i, j: (i, j, 0)),
        out_shape=jax.ShapeDtypeStruct((f, chunks * _QR, 128), jnp.float32),
    )(tt)


def _mlp_body(xi_ref, xe_ref, w1a_ref, w1b_ref, w2_ref, w3_ref,
              b1_ref, b2_ref, b3_ref, o_ref):
    f_cat = xe_ref.shape[0]
    bf = jnp.bfloat16
    z = jnp.dot(xi_ref[...], w1a_ref[...], preferred_element_type=jnp.float32)
    for f in range(f_cat):
        z = z + jnp.dot(xe_ref[f].astype(bf), w1b_ref[f].astype(bf),
                        preferred_element_type=jnp.float32)
    h1 = jnp.maximum(z + b1_ref[...], 0.0)
    h2 = jnp.maximum(
        jnp.dot(h1.astype(bf), w2_ref[...].astype(bf),
                preferred_element_type=jnp.float32) + b2_ref[...], 0.0)
    o = jnp.dot(h2, w3_ref[...], preferred_element_type=jnp.float32) + b3_ref[...]
    o_ref[...] = jax.nn.sigmoid(o)


def _mlp_packed(xi_p, xe_p, w1a_p, w1b_p, w2_p, w3_p, b1_p, b2_p, b3_p,
                tile_r=256):
    r_tot = xi_p.shape[0]
    f_cat = xe_p.shape[0]
    grid = (r_tot // tile_r,)
    full = lambda shape: pl.BlockSpec(shape, lambda i: tuple(0 for _ in shape))
    return pl.pallas_call(
        _mlp_body,
        grid=grid,
        in_specs=[
            pl.BlockSpec((tile_r, xi_p.shape[1]), lambda i: (i, 0)),
            pl.BlockSpec((f_cat, tile_r, 128), lambda i: (0, i, 0)),
            full(w1a_p.shape),
            full(w1b_p.shape),
            full(w2_p.shape),
            full(w3_p.shape),
            full(b1_p.shape),
            full(b2_p.shape),
            full(b3_p.shape),
        ],
        out_specs=pl.BlockSpec((tile_r, 4), lambda i: (i, 0)),
        out_shape=jax.ShapeDtypeStruct((r_tot, 4), jnp.float32),
    )(xi_p, xe_p, w1a_p, w1b_p, w2_p, w3_p, b1_p, b2_p, b3_p)


def kernel(xi, xv, tables, W1, b1, W2, b2, W3, b3):
    b, f_cat = xv.shape
    f, v, d = tables.shape
    f_cont = xi.shape[1]
    tbl_packed = _tc_transpose(jnp.swapaxes(tables, 1, 2))
    rows_pf = tbl_packed.shape[1]
    xvt = xv.astype(jnp.int32).T
    fid = jnp.arange(f, dtype=jnp.int32)[:, None]
    idx = (fid * rows_pf + (xvt >> 11) * _QR + (xvt & (_QR - 1))) * 4 \
        + ((xvt >> 9) & 3)
    ipw = (b * f_cat) // _NW
    idx = idx.reshape(_NW, ipw // _ROWS_PER_STREAM, _ROWS_PER_STREAM)
    xe = _sc_gather(tbl_packed.reshape(f * rows_pf * 4, d), idx)
    xe_p = xe.reshape(f_cat, b // 4, 4 * d)
    xi_p = xi.reshape(b // 4, 4 * f_cont)
    eye4 = jnp.eye(4, dtype=jnp.float32)
    w1a = W1[:f_cont]
    w1b3 = W1[f_cont:].reshape(f_cat, d, -1)
    h1 = W1.shape[1]
    w1a_p = jnp.einsum("xy,cj->xcyj", eye4, w1a).reshape(4 * f_cont, 4 * h1)
    w1b_p = jnp.einsum("xy,fdj->fxdyj", eye4, w1b3).reshape(f_cat, 4 * d, 4 * h1)
    w2_p = jnp.einsum("xy,ij->xiyj", eye4, W2).reshape(4 * h1, 4 * W2.shape[1])
    w3_p = jnp.einsum("xy,j->xjy", eye4, W3[:, 0]).reshape(4 * W3.shape[0], 4)
    b1_p = jnp.tile(b1, 4).reshape(1, -1)
    b2_p = jnp.tile(b2, 4).reshape(1, -1)
    b3_p = b3.reshape(1, 1)
    o_p = _mlp_packed(xi_p, xe_p, w1a_p, w1b_p, w2_p, w3_p, b1_p, b2_p, b3_p)
    return o_p.reshape(b, 1)

# --- scband reference (transcript-rebuilt; emitter-appended) ---
"""Pipeline reference for scband-embedding-mlp-71871982731295 (READ-ONLY COPY).

The authoritative reference and input builder live on the scoring server;
editing this copy changes nothing except your own understanding.
"""

import jax, jax.numpy as jnp
import numpy as np

B = 16384
F_CAT = 26
F_CONT = 13
V = 100000
D = 32
H1 = 128
H2 = 128


def setup_inputs(seed: int = 0) -> dict:
    key = jax.random.key(seed)
    ks = jax.random.split(key, 9)
    xi = jax.random.normal(ks[0], (B, F_CONT), dtype=jnp.float32)
    xv = jax.random.randint(ks[1], (B, F_CAT), 0, V)
    # one embedding table per sparse field, stacked: [F_CAT, V, D]
    tables = jax.random.normal(ks[2], (F_CAT, V, D), dtype=jnp.float32) * 0.01
    in_dim = F_CAT * D + F_CONT
    W1 = jax.random.normal(ks[3], (in_dim, H1), dtype=jnp.float32) * (1.0 / np.sqrt(in_dim))
    b1 = jnp.zeros((H1,), dtype=jnp.float32)
    W2 = jax.random.normal(ks[4], (H1, H2), dtype=jnp.float32) * (1.0 / np.sqrt(H1))
    b2 = jnp.zeros((H2,), dtype=jnp.float32)
    W3 = jax.random.normal(ks[5], (H2, 1), dtype=jnp.float32) * (1.0 / np.sqrt(H2))
    b3 = jnp.zeros((1,), dtype=jnp.float32)
    return {"xi": xi, "xv": xv, "tables": tables, "W1": W1, "b1": b1, "W2": W2, "b2": b2, "W3": W3, "b3": b3}


def reference(xi, xv, tables, W1, b1, W2, b2, W3, b3):
    # per-field embedding lookup (gather), then concat along feature dim
    embed_out_list = [jnp.take(tables[i], xv[:, i], axis=0) for i in range(F_CAT)]
    xv_e = jnp.concatenate(embed_out_list, axis=1)
    x = jnp.concatenate((xi, xv_e), axis=1).astype(jnp.float32)
    x = jax.nn.relu(x @ W1 + b1)
    x = jax.nn.relu(x @ W2 + b2)
    x = jax.nn.sigmoid(x @ W3 + b3)
    return x

if __name__ == "__main__":
    import jax
    _d = setup_inputs()
    print(jax.jit(kernel)(*tuple(_d.values())))

</pallas_src>

<mosaic_0001>
#map = affine_map<(d0, d1) -> (0, 0)>
#map1 = affine_map<(d0, d1) -> (0, 0, 0)>
module attributes {stable_mosaic.version = 14 : i64} {
  func.func @gather_kernel(%arg0: i32, %arg1: i32, %arg2: memref<2662400x32xf32, #tpu.memory_space<hbm>>, %arg3: memref<32x104x128xi32, #tpu.memory_space<hbm>>, %arg4: memref<425984x32xf32, #tpu.memory_space<hbm>>, %arg5: memref<104x128xi32, #tpu.memory_space<vmem>>, %arg6: memref<1024x32xf32, #tpu.memory_space<vmem>>, %arg7: memref<!tpu.dma_semaphore, #tpu.memory_space<semaphore_mem>>) attributes {dimension_semantics = [#tpu.dimension_semantics<core_parallel>, #tpu.dimension_semantics<subcore_parallel>], iteration_bounds = array<i64: 2, 16>, scalar_prefetch = 0 : i64, scratch_operands = 3 : i64, tpu.core_type = #tpu.core_type<sc_vector_subcore>, window_params = [{transform_indices = #map}, {transform_indices = #map1}, {transform_indices = #map}]} {
    %mul3A = arith.constant 2 : i32
    %mul3A_0 = arith.muli %arg1, %mul3A : i32
    %add3A = arith.addi %mul3A_0, %arg0 : i32
    %mul3A_1 = arith.constant 13312 : i32
    %mul3A_2 = arith.muli %add3A, %mul3A_1 : i32
    "tpu.region"() ({
      %run_scoped3A = tpu.sem_alloc : memref<!tpu.dma_semaphore, #tpu.memory_space<semaphore_mem>>
      %dma_start3A = arith.constant 0 : i32
      %dma_start3A_7 = arith.constant 0 : i32
      %dma_start3A_8 = tpu.memref_slice %arg3[%add3A, %dma_start3A, %dma_start3A_7] : memref<32x104x128xi32, #tpu.memory_space<hbm>> -> memref<1x104x128xi32, #tpu.memory_space<hbm>>
      %dma_start3A_9 = tpu.memref_squeeze %dma_start3A_8 : memref<1x104x128xi32, #tpu.memory_space<hbm>> -> memref<104x128xi32, #tpu.memory_space<hbm>>
      %dma_start3A_10 = arith.constant 0 : i32
      %dma_start3A_11 = arith.constant 0 : i32
      %dma_start3A_12 = tpu.memref_slice %arg3[%add3A, %dma_start3A_10, %dma_start3A_11] : memref<32x104x128xi32, #tpu.memory_space<hbm>> -> memref<1x104x128xi32, #tpu.memory_space<hbm>>
      %dma_start3A_13 = tpu.memref_squeeze %dma_start3A_12 : memref<1x104x128xi32, #tpu.memory_space<hbm>> -> memref<104x128xi32, #tpu.memory_space<hbm>>
      tpu.enqueue_dma source(%dma_start3A_13 : memref<104x128xi32, #tpu.memory_space<hbm>>) target(%arg5 : memref<104x128xi32, #tpu.memory_space<vmem>>) target_semaphore(%run_scoped3A : memref<!tpu.dma_semaphore, #tpu.memory_space<semaphore_mem>>)
      %dma_wait3A = arith.constant 0 : i32
      %dma_wait3A_14 = arith.constant 0 : i32
      %dma_wait3A_15 = tpu.memref_slice %arg3[%add3A, %dma_wait3A, %dma_wait3A_14] : memref<32x104x128xi32, #tpu.memory_space<hbm>> -> memref<1x104x128xi32, #tpu.memory_space<hbm>>
      %dma_wait3A_16 = tpu.memref_squeeze %dma_wait3A_15 : memref<1x104x128xi32, #tpu.memory_space<hbm>> -> memref<104x128xi32, #tpu.memory_space<hbm>>
      %dma_wait3A_17 = arith.constant 0 : i32
      %dma_wait3A_18 = arith.constant 0 : i32
      %dma_wait3A_19 = tpu.memref_slice %arg3[%add3A, %dma_wait3A_17, %dma_wait3A_18] : memref<32x104x128xi32, #tpu.memory_space<hbm>> -> memref<1x104x128xi32, #tpu.memory_space<hbm>>
      %dma_wait3A_20 = tpu.memref_squeeze %dma_wait3A_19 : memref<1x104x128xi32, #tpu.memory_space<hbm>> -> memref<104x128xi32, #tpu.memory_space<hbm>>
      tpu.wait_dma2 semaphore(%run_scoped3A : memref<!tpu.dma_semaphore, #tpu.memory_space<semaphore_mem>>) src(%dma_wait3A_20 : memref<104x128xi32, #tpu.memory_space<hbm>>) dst(%arg5 : memref<104x128xi32, #tpu.memory_space<vmem>>)
      tpu.yield
    }) : () -> ()
    %scan3A = arith.constant 0 : i32
    %scan3A_3 = arith.constant 13 : i32
    %scan3A_4 = arith.addi %scan3A, %scan3A_3 : i32
    %scan3A_5 = arith.constant 1 : i32
    scf.for %scan3A_7 = %scan3A to %scan3A_4 step %scan3A_5  : i32 {
      %mul3A_8 = arith.constant 1 : i32
      %mul3A_9 = arith.muli %scan3A_7, %mul3A_8 : i32
      %add3A_10 = arith.constant 0 : i32
      %add3A_11 = arith.addi %add3A_10, %mul3A_9 : i32
      %mul3A_12 = arith.constant 8 : i32
      %mul3A_13 = arith.muli %add3A_11, %mul3A_12 : i32
      %add3A_14 = arith.constant 0 : i32
      %add3A_15 = arith.addi %mul3A_13, %add3A_14 : i32
      %dma_start3A = arith.constant 0 : i32
      %dma_start3A_16 = arith.constant 0 : i32
      %dma_start3A_17 = tpu.memref_slice %arg6[%dma_start3A, %dma_start3A_16] : memref<1024x32xf32, #tpu.memory_space<vmem>> -> memref<128x32xf32, #tpu.memory_space<vmem>>
      %dma_start3A_18 = arith.constant 0 : i32
      %dma_start3A_19 = tpu.memref_slice %arg5[%add3A_15, %dma_start3A_18] : memref<104x128xi32, #tpu.memory_space<vmem>> -> memref<1x128xi32, #tpu.memory_space<vmem>>
      %dma_start3A_20 = tpu.memref_squeeze %dma_start3A_19 : memref<1x128xi32, #tpu.memory_space<vmem>> -> memref<128xi32, #tpu.memory_space<vmem>>
      %dma_start3A_21 = arith.constant 0 : i32
      %dma_start3A_22 = arith.constant 0 : i32
      %dma_start3A_23 = tpu.memref_slice %arg2[%dma_start3A_21, %dma_start3A_22] : memref<2662400x32xf32, #tpu.memory_space<hbm>> -> memref<2662400x32xf32, #tpu.memory_space<hbm>>
      tpu.enqueue_indirect_dma source(%dma_start3A_23 : memref<2662400x32xf32, #tpu.memory_space<hbm>>) target(%dma_start3A_17 : memref<128x32xf32, #tpu.memory_space<vmem>>) offsets(%dma_start3A_20 : memref<128xi32, #tpu.memory_space<vmem>>) semaphore(%arg7 : memref<!tpu.dma_semaphore, #tpu.memory_space<semaphore_mem>>)
      %mul3A_24 = arith.constant 8 : i32
      %mul3A_25 = arith.muli %add3A_11, %mul3A_24 : i32
      %add3A_26 = arith.constant 1 : i32
      %add3A_27 = arith.addi %mul3A_25, %add3A_26 : i32
      %dma_start3A_28 = arith.constant 128 : i32
      %dma_start3A_29 = arith.constant 0 : i32
      %dma_start3A_30 = tpu.memref_slice %arg6[%dma_start3A_28, %dma_start3A_29] : memref<1024x32xf32, #tpu.memory_space<vmem>> -> memref<128x32xf32, #tpu.memory_space<vmem>>
      %dma_start3A_31 = arith.constant 0 : i32
      %dma_start3A_32 = tpu.memref_slice %arg5[%add3A_27, %dma_start3A_31] : memref<104x128xi32, #tpu.memory_space<vmem>> -> memref<1x128xi32, #tpu.memory_space<vmem>>
      %dma_start3A_33 = tpu.memref_squeeze %dma_start3A_32 : memref<1x128xi32, #tpu.memory_space<vmem>> -> memref<128xi32, #tpu.memory_space<vmem>>
      %dma_start3A_34 = arith.constant 0 : i32
      %dma_start3A_35 = arith.constant 0 : i32
      %dma_start3A_36 = tpu.memref_slice %arg2[%dma_start3A_34, %dma_start3A_35] : memref<2662400x32xf32, #tpu.memory_space<hbm>> -> memref<2662400x32xf32, #tpu.memory_space<hbm>>
      tpu.enqueue_indirect_dma source(%dma_start3A_36 : memref<2662400x32xf32, #tpu.memory_space<hbm>>) target(%dma_start3A_30 : memref<128x32xf32, #tpu.memory_space<vmem>>) offsets(%dma_start3A_33 : memref<128xi32, #tpu.memory_space<vmem>>) semaphore(%arg7 : memref<!tpu.dma_semaphore, #tpu.memory_space<semaphore_mem>>)
      %mul3A_37 = arith.constant 8 : i32
      %mul3A_38 = arith.muli %add3A_11, %mul3A_37 : i32
      %add3A_39 = arith.constant 2 : i32
      %add3A_40 = arith.addi %mul3A_38, %add3A_39 : i32
      %dma_start3A_41 = arith.constant 256 : i32
      %dma_start3A_42 = arith.constant 0 : i32
      %dma_start3A_43 = tpu.memref_slice %arg6[%dma_start3A_41, %dma_start3A_42] : memref<1024x32xf32, #tpu.memory_space<vmem>> -> memref<128x32xf32, #tpu.memory_space<vmem>>
      %dma_start3A_44 = arith.constant 0 : i32
      %dma_start3A_45 = tpu.memref_slice %arg5[%add3A_40, %dma_start3A_44] : memref<104x128xi32, #tpu.memory_space<vmem>> -> memref<1x128xi32, #tpu.memory_space<vmem>>
      %dma_start3A_46 = tpu.memref_squeeze %dma_start3A_45 : memref<1x128xi32, #tpu.memory_space<vmem>> -> memref<128xi32, #tpu.memory_space<vmem>>
      %dma_start3A_47 = arith.constant 0 : i32
      %dma_start3A_48 = arith.constant 0 : i32
      %dma_start3A_49 = tpu.memref_slice %arg2[%dma_start3A_47, %dma_start3A_48] : memref<2662400x32xf32, #tpu.memory_space<hbm>> -> memref<2662400x32xf32, #tpu.memory_space<hbm>>
      tpu.enqueue_indirect_dma source(%dma_start3A_49 : memref<2662400x32xf32, #tpu.memory_space<hbm>>) target(%dma_start3A_43 : memref<128x32xf32, #tpu.memory_space<vmem>>) offsets(%dma_start3A_46 : memref<128xi32, #tpu.memory_space<vmem>>) semaphore(%arg7 : memref<!tpu.dma_semaphore, #tpu.memory_space<semaphore_mem>>)
      %mul3A_50 = arith.constant 8 : i32
      %mul3A_51 = arith.muli %add3A_11, %mul3A_50 : i32
      %add3A_52 = arith.constant 3 : i32
      %add3A_53 = arith.addi %mul3A_51, %add3A_52 : i32
      %dma_start3A_54 = arith.constant 384 : i32
      %dma_start3A_55 = arith.constant 0 : i32
      %dma_start3A_56 = tpu.memref_slice %arg6[%dma_start3A_54, %dma_start3A_55] : memref<1024x32xf32, #tpu.memory_space<vmem>> -> memref<128x32xf32, #tpu.memory_space<vmem>>
      %dma_start3A_57 = arith.constant 0 : i32
      %dma_start3A_58 = tpu.memref_slice %arg5[%add3A_53, %dma_start3A_57] : memref<104x128xi32, #tpu.memory_space<vmem>> -> memref<1x128xi32, #tpu.memory_space<vmem>>
      %dma_start3A_59 = tpu.memref_squeeze %dma_start3A_58 : memref<1x128xi32, #tpu.memory_space<vmem>> -> memref<128xi32, #tpu.memory_space<vmem>>
      %dma_start3A_60 = arith.constant 0 : i32
      %dma_start3A_61 = arith.constant 0 : i32
      %dma_start3A_62 = tpu.memref_slice %arg2[%dma_start3A_60, %dma_start3A_61] : memref<2662400x32xf32, #tpu.memory_space<hbm>> -> memref<2662400x32xf32, #tpu.memory_space<hbm>>
      tpu.enqueue_indirect_dma source(%dma_start3A_62 : memref<2662400x32xf32, #tpu.memory_space<hbm>>) target(%dma_start3A_56 : memref<128x32xf32, #tpu.memory_space<vmem>>) offsets(%dma_start3A_59 : memref<128xi32, #tpu.memory_space<vmem>>) semaphore(%arg7 : memref<!tpu.dma_semaphore, #tpu.memory_space<semaphore_mem>>)
      %mul3A_63 = arith.constant 8 : i32
      %mul3A_64 = arith.muli %add3A_11, %mul3A_63 : i32
      %add3A_65 = arith.constant 4 : i32
      %add3A_66 = arith.addi %mul3A_64, %add3A_65 : i32
      %dma_start3A_67 = arith.constant 512 : i32
      %dma_start3A_68 = arith.constant 0 : i32
      %dma_start3A_69 = tpu.memref_slice %arg6[%dma_start3A_67, %dma_start3A_68] : memref<1024x32xf32, #tpu.memory_space<vmem>> -> memref<128x32xf32, #tpu.memory_space<vmem>>
      %dma_start3A_70 = arith.constant 0 : i32
      %dma_start3A_71 = tpu.memref_slice %arg5[%add3A_66, %dma_start3A_70] : memref<104x128xi32, #tpu.memory_space<vmem>> -> memref<1x128xi32, #tpu.memory_space<vmem>>
      %dma_start3A_72 = tpu.memref_squeeze %dma_start3A_71 : memref<1x128xi32, #tpu.memory_space<vmem>> -> memref<128xi32, #tpu.memory_space<vmem>>
      %dma_start3A_73 = arith.constant 0 : i32
      %dma_start3A_74 = arith.constant 0 : i32
      %dma_start3A_75 = tpu.memref_slice %arg2[%dma_start3A_73, %dma_start3A_74] : memref<2662400x32xf32, #tpu.memory_space<hbm>> -> memref<2662400x32xf32, #tpu.memory_space<hbm>>
      tpu.enqueue_indirect_dma source(%dma_start3A_75 : memref<2662400x32xf32, #tpu.memory_space<hbm>>) target(%dma_start3A_69 : memref<128x32xf32, #tpu.memory_space<vmem>>) offsets(%dma_start3A_72 : memref<128xi32, #tpu.memory_space<vmem>>) semaphore(%arg7 : memref<!tpu.dma_semaphore, #tpu.memory_space<semaphore_mem>>)
      %mul3A_76 = arith.constant 8 : i32
      %mul3A_77 = arith.muli %add3A_11, %mul3A_76 : i32
      %add3A_78 = arith.constant 5 : i32
      %add3A_79 = arith.addi %mul3A_77, %add3A_78 : i32
      %dma_start3A_80 = arith.constant 640 : i32
      %dma_start3A_81 = arith.constant 0 : i32
      %dma_start3A_82 = tpu.memref_slice %arg6[%dma_start3A_80, %dma_start3A_81] : memref<1024x32xf32, #tpu.memory_space<vmem>> -> memref<128x32xf32, #tpu.memory_space<vmem>>
      %dma_start3A_83 = arith.constant 0 : i32
      %dma_start3A_84 = tpu.memref_slice %arg5[%add3A_79, %dma_start3A_83] : memref<104x128xi32, #tpu.memory_space<vmem>> -> memref<1x128xi32, #tpu.memory_space<vmem>>
      %dma_start3A_85 = tpu.memref_squeeze %dma_start3A_84 : memref<1x128xi32, #tpu.memory_space<vmem>> -> memref<128xi32, #tpu.memory_space<vmem>>
      %dma_start3A_86 = arith.constant 0 : i32
      %dma_start3A_87 = arith.constant 0 : i32
      %dma_start3A_88 = tpu.memref_slice %arg2[%dma_start3A_86, %dma_start3A_87] : memref<2662400x32xf32, #tpu.memory_space<hbm>> -> memref<2662400x32xf32, #tpu.memory_space<hbm>>
      tpu.enqueue_indirect_dma source(%dma_start3A_88 : memref<2662400x32xf32, #tpu.memory_space<hbm>>) target(%dma_start3A_82 : memref<128x32xf32, #tpu.memory_space<vmem>>) offsets(%dma_start3A_85 : memref<128xi32, #tpu.memory_space<vmem>>) semaphore(%arg7 : memref<!tpu.dma_semaphore, #tpu.memory_space<semaphore_mem>>)
      %mul3A_89 = arith.constant 8 : i32
      %mul3A_90 = arith.muli %add3A_11, %mul3A_89 : i32
      %add3A_91 = arith.constant 6 : i32
      %add3A_92 = arith.addi %mul3A_90, %add3A_91 : i32
      %dma_start3A_93 = arith.constant 768 : i32
      %dma_start3A_94 = arith.constant 0 : i32
      %dma_start3A_95 = tpu.memref_slice %arg6[%dma_start3A_93, %dma_start3A_94] : memref<1024x32xf32, #tpu.memory_space<vmem>> -> memref<128x32xf32, #tpu.memory_space<vmem>>
      %dma_start3A_96 = arith.constant 0 : i32
      %dma_start3A_97 = tpu.memref_slice %arg5[%add3A_92, %dma_start3A_96] : memref<104x128xi32, #tpu.memory_space<vmem>> -> memref<1x128xi32, #tpu.memory_space<vmem>>
      %dma_start3A_98 = tpu.memref_squeeze %dma_start3A_97 : memref<1x128xi32, #tpu.memory_space<vmem>> -> memref<128xi32, #tpu.memory_space<vmem>>
      %dma_start3A_99 = arith.constant 0 : i32
      %dma_start3A_100 = arith.constant 0 : i32
      %dma_start3A_101 = tpu.memref_slice %arg2[%dma_start3A_99, %dma_start3A_100] : memref<2662400x32xf32, #tpu.memory_space<hbm>> -> memref<2662400x32xf32, #tpu.memory_space<hbm>>
      tpu.enqueue_indirect_dma source(%dma_start3A_101 : memref<2662400x32xf32, #tpu.memory_space<hbm>>) target(%dma_start3A_95 : memref<128x32xf32, #tpu.memory_space<vmem>>) offsets(%dma_start3A_98 : memref<128xi32, #tpu.memory_space<vmem>>) semaphore(%arg7 : memref<!tpu.dma_semaphore, #tpu.memory_space<semaphore_mem>>)
      %mul3A_102 = arith.constant 8 : i32
      %mul3A_103 = arith.muli %add3A_11, %mul3A_102 : i32
      %add3A_104 = arith.constant 7 : i32
      %add3A_105 = arith.addi %mul3A_103, %add3A_104 : i32
      %dma_start3A_106 = arith.constant 896 : i32
      %dma_start3A_107 = arith.constant 0 : i32
      %dma_start3A_108 = tpu.memref_slice %arg6[%dma_start3A_106, %dma_start3A_107] : memref<1024x32xf32, #tpu.memory_space<vmem>> -> memref<128x32xf32, #tpu.memory_space<vmem>>
      %dma_start3A_109 = arith.constant 0 : i32
      %dma_start3A_110 = tpu.memref_slice %arg5[%add3A_105, %dma_start3A_109] : memref<104x128xi32, #tpu.memory_space<vmem>> -> memref<1x128xi32, #tpu.memory_space<vmem>>
      %dma_start3A_111 = tpu.memref_squeeze %dma_start3A_110 : memref<1x128xi32, #tpu.memory_space<vmem>> -> memref<128xi32, #tpu.memory_space<vmem>>
      %dma_start3A_112 = arith.constant 0 : i32
      %dma_start3A_113 = arith.constant 0 : i32
      %dma_start3A_114 = tpu.memref_slice %arg2[%dma_start3A_112, %dma_start3A_113] : memref<2662400x32xf32, #tpu.memory_space<hbm>> -> memref<2662400x32xf32, #tpu.memory_space<hbm>>
      tpu.enqueue_indirect_dma source(%dma_start3A_114 : memref<2662400x32xf32, #tpu.memory_space<hbm>>) target(%dma_start3A_108 : memref<128x32xf32, #tpu.memory_space<vmem>>) offsets(%dma_start3A_111 : memref<128xi32, #tpu.memory_space<vmem>>) semaphore(%arg7 : memref<!tpu.dma_semaphore, #tpu.memory_space<semaphore_mem>>)
      %dma_wait3A = arith.constant 0 : i32
      %dma_wait3A_115 = arith.constant 0 : i32
      %dma_wait3A_116 = tpu.memref_slice %arg6[%dma_wait3A, %dma_wait3A_115] : memref<1024x32xf32, #tpu.memory_space<vmem>> -> memref<128x32xf32, #tpu.memory_space<vmem>>
      %dma_wait3A_117 = arith.constant 0 : i32
      %dma_wait3A_118 = tpu.memref_slice %arg5[%add3A_15, %dma_wait3A_117] : memref<104x128xi32, #tpu.memory_space<vmem>> -> memref<1x128xi32, #tpu.memory_space<vmem>>
      %dma_wait3A_119 = tpu.memref_squeeze %dma_wait3A_118 : memref<1x128xi32, #tpu.memory_space<vmem>> -> memref<128xi32, #tpu.memory_space<vmem>>
      %dma_wait3A_120 = arith.constant 0 : i32
      %dma_wait3A_121 = arith.constant 0 : i32
      %dma_wait3A_122 = tpu.memref_slice %arg2[%dma_wait3A_120, %dma_wait3A_121] : memref<2662400x32xf32, #tpu.memory_space<hbm>> -> memref<2662400x32xf32, #tpu.memory_space<hbm>>
      tpu.wait_indirect_dma semaphore(%arg7 : memref<!tpu.dma_semaphore, #tpu.memory_space<semaphore_mem>>) src(%dma_wait3A_122 : memref<2662400x32xf32, #tpu.memory_space<hbm>>) dst(%dma_wait3A_116 : memref<128x32xf32, #tpu.memory_space<vmem>>)
      %dma_wait3A_123 = arith.constant 128 : i32
      %dma_wait3A_124 = arith.constant 0 : i32
      %dma_wait3A_125 = tpu.memref_slice %arg6[%dma_wait3A_123, %dma_wait3A_124] : memref<1024x32xf32, #tpu.memory_space<vmem>> -> memref<128x32xf32, #tpu.memory_space<vmem>>
      %dma_wait3A_126 = arith.constant 0 : i32
      %dma_wait3A_127 = tpu.memref_slice %arg5[%add3A_27, %dma_wait3A_126] : memref<104x128xi32, #tpu.memory_space<vmem>> -> memref<1x128xi32, #tpu.memory_space<vmem>>
      %dma_wait3A_128 = tpu.memref_squeeze %dma_wait3A_127 : memref<1x128xi32, #tpu.memory_space<vmem>> -> memref<128xi32, #tpu.memory_space<vmem>>
      %dma_wait3A_129 = arith.constant 0 : i32
      %dma_wait3A_130 = arith.constant 0 : i32
      %dma_wait3A_131 = tpu.memref_slice %arg2[%dma_wait3A_129, %dma_wait3A_130] : memref<2662400x32xf32, #tpu.memory_space<hbm>> -> memref<2662400x32xf32, #tpu.memory_space<hbm>>
      tpu.wait_indirect_dma semaphore(%arg7 : memref<!tpu.dma_semaphore, #tpu.memory_space<semaphore_mem>>) src(%dma_wait3A_131 : memref<2662400x32xf32, #tpu.memory_space<hbm>>) dst(%dma_wait3A_125 : memref<128x32xf32, #tpu.memory_space<vmem>>)
      %dma_wait3A_132 = arith.constant 256 : i32
      %dma_wait3A_133 = arith.constant 0 : i32
      %dma_wait3A_134 = tpu.memref_slice %arg6[%dma_wait3A_132, %dma_wait3A_133] : memref<1024x32xf32, #tpu.memory_space<vmem>> -> memref<128x32xf32, #tpu.memory_space<vmem>>
      %dma_wait3A_135 = arith.constant 0 : i32
      %dma_wait3A_136 = tpu.memref_slice %arg5[%add3A_40, %dma_wait3A_135] : memref<104x128xi32, #tpu.memory_space<vmem>> -> memref<1x128xi32, #tpu.memory_space<vmem>>
      %dma_wait3A_137 = tpu.memref_squeeze %dma_wait3A_136 : memref<1x128xi32, #tpu.memory_space<vmem>> -> memref<128xi32, #tpu.memory_space<vmem>>
      %dma_wait3A_138 = arith.constant 0 : i32
      %dma_wait3A_139 = arith.constant 0 : i32
      %dma_wait3A_140 = tpu.memref_slice %arg2[%dma_wait3A_138, %dma_wait3A_139] : memref<2662400x32xf32, #tpu.memory_space<hbm>> -> memref<2662400x32xf32, #tpu.memory_space<hbm>>
      tpu.wait_indirect_dma semaphore(%arg7 : memref<!tpu.dma_semaphore, #tpu.memory_space<semaphore_mem>>) src(%dma_wait3A_140 : memref<2662400x32xf32, #tpu.memory_space<hbm>>) dst(%dma_wait3A_134 : memref<128x32xf32, #tpu.memory_space<vmem>>)
      %dma_wait3A_141 = arith.constant 384 : i32
      %dma_wait3A_142 = arith.constant 0 : i32
      %dma_wait3A_143 = tpu.memref_slice %arg6[%dma_wait3A_141, %dma_wait3A_142] : memref<1024x32xf32, #tpu.memory_space<vmem>> -> memref<128x32xf32, #tpu.memory_space<vmem>>
      %dma_wait3A_144 = arith.constant 0 : i32
      %dma_wait3A_145 = tpu.memref_slice %arg5[%add3A_53, %dma_wait3A_144] : memref<104x128xi32, #tpu.memory_space<vmem>> -> memref<1x128xi32, #tpu.memory_space<vmem>>
      %dma_wait3A_146 = tpu.memref_squeeze %dma_wait3A_145 : memref<1x128xi32, #tpu.memory_space<vmem>> -> memref<128xi32, #tpu.memory_space<vmem>>
      %dma_wait3A_147 = arith.constant 0 : i32
      %dma_wait3A_148 = arith.constant 0 : i32
      %dma_wait3A_149 = tpu.memref_slice %arg2[%dma_wait3A_147, %dma_wait3A_148] : memref<2662400x32xf32, #tpu.memory_space<hbm>> -> memref<2662400x32xf32, #tpu.memory_space<hbm>>
      tpu.wait_indirect_dma semaphore(%arg7 : memref<!tpu.dma_semaphore, #tpu.memory_space<semaphore_mem>>) src(%dma_wait3A_149 : memref<2662400x32xf32, #tpu.memory_space<hbm>>) dst(%dma_wait3A_143 : memref<128x32xf32, #tpu.memory_space<vmem>>)
      %dma_wait3A_150 = arith.constant 512 : i32
      %dma_wait3A_151 = arith.constant 0 : i32
      %dma_wait3A_152 = tpu.memref_slice %arg6[%dma_wait3A_150, %dma_wait3A_151] : memref<1024x32xf32, #tpu.memory_space<vmem>> -> memref<128x32xf32, #tpu.memory_space<vmem>>
      %dma_wait3A_153 = arith.constant 0 : i32
      %dma_wait3A_154 = tpu.memref_slice %arg5[%add3A_66, %dma_wait3A_153] : memref<104x128xi32, #tpu.memory_space<vmem>> -> memref<1x128xi32, #tpu.memory_space<vmem>>
      %dma_wait3A_155 = tpu.memref_squeeze %dma_wait3A_154 : memref<1x128xi32, #tpu.memory_space<vmem>> -> memref<128xi32, #tpu.memory_space<vmem>>
      %dma_wait3A_156 = arith.constant 0 : i32
      %dma_wait3A_157 = arith.constant 0 : i32
      %dma_wait3A_158 = tpu.memref_slice %arg2[%dma_wait3A_156, %dma_wait3A_157] : memref<2662400x32xf32, #tpu.memory_space<hbm>> -> memref<2662400x32xf32, #tpu.memory_space<hbm>>
      tpu.wait_indirect_dma semaphore(%arg7 : memref<!tpu.dma_semaphore, #tpu.memory_space<semaphore_mem>>) src(%dma_wait3A_158 : memref<2662400x32xf32, #tpu.memory_space<hbm>>) dst(%dma_wait3A_152 : memref<128x32xf32, #tpu.memory_space<vmem>>)
      %dma_wait3A_159 = arith.constant 640 : i32
      %dma_wait3A_160 = arith.constant 0 : i32
      %dma_wait3A_161 = tpu.memref_slice %arg6[%dma_wait3A_159, %dma_wait3A_160] : memref<1024x32xf32, #tpu.memory_space<vmem>> -> memref<128x32xf32, #tpu.memory_space<vmem>>
      %dma_wait3A_162 = arith.constant 0 : i32
      %dma_wait3A_163 = tpu.memref_slice %arg5[%add3A_79, %dma_wait3A_162] : memref<104x128xi32, #tpu.memory_space<vmem>> -> memref<1x128xi32, #tpu.memory_space<vmem>>
      %dma_wait3A_164 = tpu.memref_squeeze %dma_wait3A_163 : memref<1x128xi32, #tpu.memory_space<vmem>> -> memref<128xi32, #tpu.memory_space<vmem>>
      %dma_wait3A_165 = arith.constant 0 : i32
      %dma_wait3A_166 = arith.constant 0 : i32
      %dma_wait3A_167 = tpu.memref_slice %arg2[%dma_wait3A_165, %dma_wait3A_166] : memref<2662400x32xf32, #tpu.memory_space<hbm>> -> memref<2662400x32xf32, #tpu.memory_space<hbm>>
      tpu.wait_indirect_dma semaphore(%arg7 : memref<!tpu.dma_semaphore, #tpu.memory_space<semaphore_mem>>) src(%dma_wait3A_167 : memref<2662400x32xf32, #tpu.memory_space<hbm>>) dst(%dma_wait3A_161 : memref<128x32xf32, #tpu.memory_space<vmem>>)
      %dma_wait3A_168 = arith.constant 768 : i32
      %dma_wait3A_169 = arith.constant 0 : i32
      %dma_wait3A_170 = tpu.memref_slice %arg6[%dma_wait3A_168, %dma_wait3A_169] : memref<1024x32xf32, #tpu.memory_space<vmem>> -> memref<128x32xf32, #tpu.memory_space<vmem>>
      %dma_wait3A_171 = arith.constant 0 : i32
      %dma_wait3A_172 = tpu.memref_slice %arg5[%add3A_92, %dma_wait3A_171] : memref<104x128xi32, #tpu.memory_space<vmem>> -> memref<1x128xi32, #tpu.memory_space<vmem>>
      %dma_wait3A_173 = tpu.memref_squeeze %dma_wait3A_172 : memref<1x128xi32, #tpu.memory_space<vmem>> -> memref<128xi32, #tpu.memory_space<vmem>>
      %dma_wait3A_174 = arith.constant 0 : i32
      %dma_wait3A_175 = arith.constant 0 : i32
      %dma_wait3A_176 = tpu.memref_slice %arg2[%dma_wait3A_174, %dma_wait3A_175] : memref<2662400x32xf32, #tpu.memory_space<hbm>> -> memref<2662400x32xf32, #tpu.memory_space<hbm>>
      tpu.wait_indirect_dma semaphore(%arg7 : memref<!tpu.dma_semaphore, #tpu.memory_space<semaphore_mem>>) src(%dma_wait3A_176 : memref<2662400x32xf32, #tpu.memory_space<hbm>>) dst(%dma_wait3A_170 : memref<128x32xf32, #tpu.memory_space<vmem>>)
      %dma_wait3A_177 = arith.constant 896 : i32
      %dma_wait3A_178 = arith.constant 0 : i32
      %dma_wait3A_179 = tpu.memref_slice %arg6[%dma_wait3A_177, %dma_wait3A_178] : memref<1024x32xf32, #tpu.memory_space<vmem>> -> memref<128x32xf32, #tpu.memory_space<vmem>>
      %dma_wait3A_180 = arith.constant 0 : i32
      %dma_wait3A_181 = tpu.memref_slice %arg5[%add3A_105, %dma_wait3A_180] : memref<104x128xi32, #tpu.memory_space<vmem>> -> memref<1x128xi32, #tpu.memory_space<vmem>>
      %dma_wait3A_182 = tpu.memref_squeeze %dma_wait3A_181 : memref<1x128xi32, #tpu.memory_space<vmem>> -> memref<128xi32, #tpu.memory_space<vmem>>
      %dma_wait3A_183 = arith.constant 0 : i32
      %dma_wait3A_184 = arith.constant 0 : i32
      %dma_wait3A_185 = tpu.memref_slice %arg2[%dma_wait3A_183, %dma_wait3A_184] : memref<2662400x32xf32, #tpu.memory_space<hbm>> -> memref<2662400x32xf32, #tpu.memory_space<hbm>>
      tpu.wait_indirect_dma semaphore(%arg7 : memref<!tpu.dma_semaphore, #tpu.memory_space<semaphore_mem>>) src(%dma_wait3A_185 : memref<2662400x32xf32, #tpu.memory_space<hbm>>) dst(%dma_wait3A_179 : memref<128x32xf32, #tpu.memory_space<vmem>>)
      %mul3A_186 = arith.constant 1024 : i32
      %mul3A_187 = arith.muli %add3A_11, %mul3A_186 : i32
      %add3A_188 = arith.addi %mul3A_2, %mul3A_187 : i32
      "tpu.region"() ({
        %run_scoped3A = tpu.sem_alloc : memref<!tpu.dma_semaphore, #tpu.memory_space<semaphore_mem>>
        %dma_start3A_189 = arith.constant 0 : i32
        %dma_start3A_190 = tpu.memref_slice %arg4[%add3A_188, %dma_start3A_189] : memref<425984x32xf32, #tpu.memory_space<hbm>> -> memref<1024x32xf32, #tpu.memory_space<hbm>>
        %dma_start3A_191 = arith.constant 0 : i32
        %dma_start3A_192 = tpu.memref_slice %arg4[%add3A_188, %dma_start3A_191] : memref<425984x32xf32, #tpu.memory_space<hbm>> -> memref<1024x32xf32, #tpu.memory_space<hbm>>
        tpu.enqueue_dma source(%arg6 : memref<1024x32xf32, #tpu.memory_space<vmem>>) target(%dma_start3A_192 : memref<1024x32xf32, #tpu.memory_space<hbm>>) target_semaphore(%run_scoped3A : memref<!tpu.dma_semaphore, #tpu.memory_space<semaphore_mem>>)
        %dma_wait3A_193 = arith.constant 0 : i32
        %dma_wait3A_194 = tpu.memref_slice %arg4[%add3A_188, %dma_wait3A_193] : memref<425984x32xf32, #tpu.memory_space<hbm>> -> memref<1024x32xf32, #tpu.memory_space<hbm>>
        %dma_wait3A_195 = arith.constant 0 : i32
        %dma_wait3A_196 = tpu.memref_slice %arg4[%add3A_188, %dma_wait3A_195] : memref<425984x32xf32, #tpu.memory_space<hbm>> -> memref<1024x32xf32, #tpu.memory_space<hbm>>
        tpu.wait_dma2 semaphore(%run_scoped3A : memref<!tpu.dma_semaphore, #tpu.memory_space<semaphore_mem>>) src(%arg6 : memref<1024x32xf32, #tpu.memory_space<vmem>>) dst(%dma_wait3A_196 : memref<1024x32xf32, #tpu.memory_space<hbm>>)
        tpu.yield
      }) : () -> ()
    }
    %scan3A_6 = arith.constant 13 : i32
    return
  }
}

module attributes {stable_mosaic.version = 14 : i64} {
  func.func @_transpose_body(%arg0: i32, %arg1: i32, %arg2: memref<13x32x4096xf32, #tpu.memory_space<vmem>>, %arg3: memref<13x1024x128xf32, #tpu.memory_space<vmem>>) attributes {dimension_semantics = [#tpu.dimension_semantics<arbitrary>, #tpu.dimension_semantics<arbitrary>], iteration_bounds = array<i64: 2, 25>, scalar_prefetch = 0 : i64, scratch_operands = 0 : i64, tpu.core_type = #tpu.core_type<tc>, window_params = [{transform_indices = @transform_0, window_bounds = array<i64: 13, 32, 4096>}, {transform_indices = @transform_1, window_bounds = array<i64: 13, 1024, 128>}]} {
    %get3A = arith.constant 0 : index
    %get3A_0 = arith.constant 0 : index
    %get3A_1 = arith.constant 0 : index
    %get3A_2 = vector.load %arg2[%get3A, %get3A_0, %get3A_1] : memref<13x32x4096xf32, #tpu.memory_space<vmem>>, vector<1x32x4096xf32>
    %get3A_3 = vector.shape_cast %get3A_2 : vector<1x32x4096xf32> to vector<32x4096xf32>
    %slice3A = vector.extract_strided_slice %get3A_3 {offsets = [0, 0], sizes = [32, 512], strides = [1, 1]} : vector<32x4096xf32> to vector<32x512xf32>
    %slice3A_4 = vector.extract_strided_slice %get3A_3 {offsets = [0, 512], sizes = [32, 512], strides = [1, 1]} : vector<32x4096xf32> to vector<32x512xf32>
    %slice3A_5 = vector.extract_strided_slice %get3A_3 {offsets = [0, 1024], sizes = [32, 512], strides = [1, 1]} : vector<32x4096xf32> to vector<32x512xf32>
    %slice3A_6 = vector.extract_strided_slice %get3A_3 {offsets = [0, 1536], sizes = [32, 512], strides = [1, 1]} : vector<32x4096xf32> to vector<32x512xf32>
    %concatenate3A = tpu.concatenate %slice3A, %slice3A_4, %slice3A_5, %slice3A_6 in 0 : vector<32x512xf32>, vector<32x512xf32>, vector<32x512xf32>, vector<32x512xf32> -> vector<128x512xf32>
    %transpose3A = tpu.transpose %concatenate3A, [1, 0] : vector<128x512xf32> -> vector<512x128xf32>
    %swap3A = arith.constant 0 : index
    %swap3A_7 = arith.constant 0 : index
    %swap3A_8 = arith.constant 0 : index
    %swap3A_9 = vector.load %arg3[%swap3A, %swap3A_7, %swap3A_8] : memref<13x1024x128xf32, #tpu.memory_space<vmem>>, vector<1x512x128xf32>
    %swap3A_10 = vector.shape_cast %swap3A_9 : vector<1x512x128xf32> to vector<512x128xf32>
    %swap3A_11 = vector.shape_cast %transpose3A : vector<512x128xf32> to vector<1x512x128xf32>
    tpu.vector_store %arg3[%swap3A, %swap3A_7, %swap3A_8], %swap3A_11 {strides = array<i32>} : memref<13x1024x128xf32, #tpu.memory_space<vmem>>, vector<1x512x128xf32>,
    %slice3A_12 = vector.extract_strided_slice %get3A_3 {offsets = [0, 2048], sizes = [32, 512], strides = [1, 1]} : vector<32x4096xf32> to vector<32x512xf32>
    %slice3A_13 = vector.extract_strided_slice %get3A_3 {offsets = [0, 2560], sizes = [32, 512], strides = [1, 1]} : vector<32x4096xf32> to vector<32x512xf32>
    %slice3A_14 = vector.extract_strided_slice %get3A_3 {offsets = [0, 3072], sizes = [32, 512], strides = [1, 1]} : vector<32x4096xf32> to vector<32x512xf32>
    %slice3A_15 = vector.extract_strided_slice %get3A_3 {offsets = [0, 3584], sizes = [32, 512], strides = [1, 1]} : vector<32x4096xf32> to vector<32x512xf32>
    %concatenate3A_16 = tpu.concatenate %slice3A_12, %slice3A_13, %slice3A_14, %slice3A_15 in 0 : vector<32x512xf32>, vector<32x512xf32>, vector<32x512xf32>, vector<32x512xf32> -> vector<128x512xf32>
    %transpose3A_17 = tpu.transpose %concatenate3A_16, [1, 0] : vector<128x512xf32> -> vector<512x128xf32>
    %swap3A_18 = arith.constant 0 : index
    %swap3A_19 = arith.constant 512 : index
    %swap3A_20 = arith.constant 0 : index
    %swap3A_21 = vector.load %arg3[%swap3A_18, %swap3A_19, %swap3A_20] : memref<13x1024x128xf32, #tpu.memory_space<vmem>>, vector<1x512x128xf32>
    %swap3A_22 = vector.shape_cast %swap3A_21 : vector<1x512x128xf32> to vector<512x128xf32>
    %swap3A_23 = vector.shape_cast %transpose3A_17 : vector<512x128xf32> to vector<1x512x128xf32>
    tpu.vector_store %arg3[%swap3A_18, %swap3A_19, %swap3A_20], %swap3A_23 {strides = array<i32>} : memref<13x1024x128xf32, #tpu.memory_space<vmem>>, vector<1x512x128xf32>,
    %get3A_24 = arith.constant 1 : index
    %get3A_25 = arith.constant 0 : index
    %get3A_26 = arith.constant 0 : index
    %get3A_27 = vector.load %arg2[%get3A_24, %get3A_25, %get3A_26] : memref<13x32x4096xf32, #tpu.memory_space<vmem>>, vector<1x32x4096xf32>
    %get3A_28 = vector.shape_cast %get3A_27 : vector<1x32x4096xf32> to vector<32x4096xf32>
    %slice3A_29 = vector.extract_strided_slice %get3A_28 {offsets = [0, 0], sizes = [32, 512], strides = [1, 1]} : vector<32x4096xf32> to vector<32x512xf32>
    %slice3A_30 = vector.extract_strided_slice %get3A_28 {offsets = [0, 512], sizes = [32, 512], strides = [1, 1]} : vector<32x4096xf32> to vector<32x512xf32>
    %slice3A_31 = vector.extract_strided_slice %get3A_28 {offsets = [0, 1024], sizes = [32, 512], strides = [1, 1]} : vector<32x4096xf32> to vector<32x512xf32>
    %slice3A_32 = vector.extract_strided_slice %get3A_28 {offsets = [0, 1536], sizes = [32, 512], strides = [1, 1]} : vector<32x4096xf32> to vector<32x512xf32>
    %concatenate3A_33 = tpu.concatenate %slice3A_29, %slice3A_30, %slice3A_31, %slice3A_32 in 0 : vector<32x512xf32>, vector<32x512xf32>, vector<32x512xf32>, vector<32x512xf32> -> vector<128x512xf32>
    %transpose3A_34 = tpu.transpose %concatenate3A_33, [1, 0] : vector<128x512xf32> -> vector<512x128xf32>
    %swap3A_35 = arith.constant 1 : index
    %swap3A_36 = arith.constant 0 : index
    %swap3A_37 = arith.constant 0 : index
    %swap3A_38 = vector.load %arg3[%swap3A_35, %swap3A_36, %swap3A_37] : memref<13x1024x128xf32, #tpu.memory_space<vmem>>, vector<1x512x128xf32>
    %swap3A_39 = vector.shape_cast %swap3A_38 : vector<1x512x128xf32> to vector<512x128xf32>
    %swap3A_40 = vector.shape_cast %transpose3A_34 : vector<512x128xf32> to vector<1x512x128xf32>
    tpu.vector_store %arg3[%swap3A_35, %swap3A_36, %swap3A_37], %swap3A_40 {strides = array<i32>} : memref<13x1024x128xf32, #tpu.memory_space<vmem>>, vector<1x512x128xf32>,
    %slice3A_41 = vector.extract_strided_slice %get3A_28 {offsets = [0, 2048], sizes = [32, 512], strides = [1, 1]} : vector<32x4096xf32> to vector<32x512xf32>
    %slice3A_42 = vector.extract_strided_slice %get3A_28 {offsets = [0, 2560], sizes = [32, 512], strides = [1, 1]} : vector<32x4096xf32> to vector<32x512xf32>
    %slice3A_43 = vector.extract_strided_slice %get3A_28 {offsets = [0, 3072], sizes = [32, 512], strides = [1, 1]} : vector<32x4096xf32> to vector<32x512xf32>
    %slice3A_44 = vector.extract_strided_slice %get3A_28 {offsets = [0, 3584], sizes = [32, 512], strides = [1, 1]} : vector<32x4096xf32> to vector<32x512xf32>
    %concatenate3A_45 = tpu.concatenate %slice3A_41, %slice3A_42, %slice3A_43, %slice3A_44 in 0 : vector<32x512xf32>, vector<32x512xf32>, vector<32x512xf32>, vector<32x512xf32> -> vector<128x512xf32>
    %transpose3A_46 = tpu.transpose %concatenate3A_45, [1, 0] : vector<128x512xf32> -> vector<512x128xf32>
    %swap3A_47 = arith.constant 1 : index
    %swap3A_48 = arith.constant 512 : index
    %swap3A_49 = arith.constant 0 : index
    %swap3A_50 = vector.load %arg3[%swap3A_47, %swap3A_48, %swap3A_49] : memref<13x1024x128xf32, #tpu.memory_space<vmem>>, vector<1x512x128xf32>
    %swap3A_51 = vector.shape_cast %swap3A_50 : vector<1x512x128xf32> to vector<512x128xf32>
    %swap3A_52 = vector.shape_cast %transpose3A_46 : vector<512x128xf32> to vector<1x512x128xf32>
    tpu.vector_store %arg3[%swap3A_47, %swap3A_48, %swap3A_49], %swap3A_52 {strides = array<i32>} : memref<13x1024x128xf32, #tpu.memory_space<vmem>>, vector<1x512x128xf32>,
    %get3A_53 = arith.constant 2 : index
    %get3A_54 = arith.constant 0 : index
    %get3A_55 = arith.constant 0 : index
    %get3A_56 = vector.load %arg2[%get3A_53, %get3A_54, %get3A_55] : memref<13x32x4096xf32, #tpu.memory_space<vmem>>, vector<1x32x4096xf32>
    %get3A_57 = vector.shape_cast %get3A_56 : vector<1x32x4096xf32> to vector<32x4096xf32>
    %slice3A_58 = vector.extract_strided_slice %get3A_57 {offsets = [0, 0], sizes = [32, 512], strides = [1, 1]} : vector<32x4096xf32> to vector<32x512xf32>
    %slice3A_59 = vector.extract_strided_slice %get3A_57 {offsets = [0, 512], sizes = [32, 512], strides = [1, 1]} : vector<32x4096xf32> to vector<32x512xf32>
    %slice3A_60 = vector.extract_strided_slice %get3A_57 {offsets = [0, 1024], sizes = [32, 512], strides = [1, 1]} : vector<32x4096xf32> to vector<32x512xf32>
    %slice3A_61 = vector.extract_strided_slice %get3A_57 {offsets = [0, 1536], sizes = [32, 512], strides = [1, 1]} : vector<32x4096xf32> to vector<32x512xf32>
    %concatenate3A_62 = tpu.concatenate %slice3A_58, %slice3A_59, %slice3A_60, %slice3A_61 in 0 : vector<32x512xf32>, vector<32x512xf32>, vector<32x512xf32>, vector<32x512xf32> -> vector<128x512xf32>
    %transpose3A_63 = tpu.transpose %concatenate3A_62, [1, 0] : vector<128x512xf32> -> vector<512x128xf32>
    %swap3A_64 = arith.constant 2 : index
    %swap3A_65 = arith.constant 0 : index
    %swap3A_66 = arith.constant 0 : index
    %swap3A_67 = vector.load %arg3[%swap3A_64, %swap3A_65, %swap3A_66] : memref<13x1024x128xf32, #tpu.memory_space<vmem>>, vector<1x512x128xf32>
    %swap3A_68 = vector.shape_cast %swap3A_67 : vector<1x512x128xf32> to vector<512x128xf32>
    %swap3A_69 = vector.shape_cast %transpose3A_63 : vector<512x128xf32> to vector<1x512x128xf32>
    tpu.vector_store %arg3[%swap3A_64, %swap3A_65, %swap3A_66], %swap3A_69 {strides = array<i32>} : memref<13x1024x128xf32, #tpu.memory_space<vmem>>, vector<1x512x128xf32>,
    %slice3A_70 = vector.extract_strided_slice %get3A_57 {offsets = [0, 2048], sizes = [32, 512], strides = [1, 1]} : vector<32x4096xf32> to vector<32x512xf32>
    %slice3A_71 = vector.extract_strided_slice %get3A_57 {offsets = [0, 2560], sizes = [32, 512], strides = [1, 1]} : vector<32x4096xf32> to vector<32x512xf32>
    %slice3A_72 = vector.extract_strided_slice %get3A_57 {offsets = [0, 3072], sizes = [32, 512], strides = [1, 1]} : vector<32x4096xf32> to vector<32x512xf32>
    %slice3A_73 = vector.extract_strided_slice %get3A_57 {offsets = [0, 3584], sizes = [32, 512], strides = [1, 1]} : vector<32x4096xf32> to vector<32x512xf32>
    %concatenate3A_74 = tpu.concatenate %slice3A_70, %slice3A_71, %slice3A_72, %slice3A_73 in 0 : vector<32x512xf32>, vector<32x512xf32>, vector<32x512xf32>, vector<32x512xf32> -> vector<128x512xf32>
    %transpose3A_75 = tpu.transpose %concatenate3A_74, [1, 0] : vector<128x512xf32> -> vector<512x128xf32>
    %swap3A_76 = arith.constant 2 : index
    %swap3A_77 = arith.constant 512 : index
    %swap3A_78 = arith.constant 0 : index
    %swap3A_79 = vector.load %arg3[%swap3A_76, %swap3A_77, %swap3A_78] : memref<13x1024x128xf32, #tpu.memory_space<vmem>>, vector<1x512x128xf32>
    %swap3A_80 = vector.shape_cast %swap3A_79 : vector<1x512x128xf32> to vector<512x128xf32>
    %swap3A_81 = vector.shape_cast %transpose3A_75 : vector<512x128xf32> to vector<1x512x128xf32>
    tpu.vector_store %arg3[%swap3A_76, %swap3A_77, %swap3A_78], %swap3A_81 {strides = array<i32>} : memref<13x1024x128xf32, #tpu.memory_space<vmem>>, vector<1x512x128xf32>,
    %get3A_82 = arith.constant 3 : index
    %get3A_83 = arith.constant 0 : index
    %get3A_84 = arith.constant 0 : index
    %get3A_85 = vector.load %arg2[%get3A_82, %get3A_83, %get3A_84] : memref<13x32x4096xf32, #tpu.memory_space<vmem>>, vector<1x32x4096xf32>
    %get3A_86 = vector.shape_cast %get3A_85 : vector<1x32x4096xf32> to vector<32x4096xf32>
    %slice3A_87 = vector.extract_strided_slice %get3A_86 {offsets = [0, 0], sizes = [32, 512], strides = [1, 1]} : vector<32x4096xf32> to vector<32x512xf32>
    %slice3A_88 = vector.extract_strided_slice %get3A_86 {offsets = [0, 512], sizes = [32, 512], strides = [1, 1]} : vector<32x4096xf32> to vector<32x512xf32>
    %slice3A_89 = vector.extract_strided_slice %get3A_86 {offsets = [0, 1024], sizes = [32, 512], strides = [1, 1]} : vector<32x4096xf32> to vector<32x512xf32>
    %slice3A_90 = vector.extract_strided_slice %get3A_86 {offsets = [0, 1536], sizes = [32, 512], strides = [1, 1]} : vector<32x4096xf32> to vector<32x512xf32>
    %concatenate3A_91 = tpu.concatenate %slice3A_87, %slice3A_88, %slice3A_89, %slice3A_90 in 0 : vector<32x512xf32>, vector<32x512xf32>, vector<32x512xf32>, vector<32x512xf32> -> vector<128x512xf32>
    %transpose3A_92 = tpu.transpose %concatenate3A_91, [1, 0] : vector<128x512xf32> -> vector<512x128xf32>
    %swap3A_93 = arith.constant 3 : index
    %swap3A_94 = arith.constant 0 : index
    %swap3A_95 = arith.constant 0 : index
    %swap3A_96 = vector.load %arg3[%swap3A_93, %swap3A_94, %swap3A_95] : memref<13x1024x128xf32, #tpu.memory_space<vmem>>, vector<1x512x128xf32>
    %swap3A_97 = vector.shape_cast %swap3A_96 : vector<1x512x128xf32> to vector<512x128xf32>
    %swap3A_98 = vector.shape_cast %transpose3A_92 : vector<512x128xf32> to vector<1x512x128xf32>
    tpu.vector_store %arg3[%swap3A_93, %swap3A_94, %swap3A_95], %swap3A_98 {strides = array<i32>} : memref<13x1024x128xf32, #tpu.memory_space<vmem>>, vector<1x512x128xf32>,
    %slice3A_99 = vector.extract_strided_slice %get3A_86 {offsets = [0, 2048], sizes = [32, 512], strides = [1, 1]} : vector<32x4096xf32> to vector<32x512xf32>
    %slice3A_100 = vector.extract_strided_slice %get3A_86 {offsets = [0, 2560], sizes = [32, 512], strides = [1, 1]} : vector<32x4096xf32> to vector<32x512xf32>
    %slice3A_101 = vector.extract_strided_slice %get3A_86 {offsets = [0, 3072], sizes = [32, 512], strides = [1, 1]} : vector<32x4096xf32> to vector<32x512xf32>
    %slice3A_102 = vector.extract_strided_slice %get3A_86 {offsets = [0, 3584], sizes = [32, 512], strides = [1, 1]} : vector<32x4096xf32> to vector<32x512xf32>
    %concatenate3A_103 = tpu.concatenate %slice3A_99, %slice3A_100, %slice3A_101, %slice3A_102 in 0 : vector<32x512xf32>, vector<32x512xf32>, vector<32x512xf32>, vector<32x512xf32> -> vector<128x512xf32>
    %transpose3A_104 = tpu.transpose %concatenate3A_103, [1, 0] : vector<128x512xf32> -> vector<512x128xf32>
    %swap3A_105 = arith.constant 3 : index
    %swap3A_106 = arith.constant 512 : index
    %swap3A_107 = arith.constant 0 : index
    %swap3A_108 = vector.load %arg3[%swap3A_105, %swap3A_106, %swap3A_107] : memref<13x1024x128xf32, #tpu.memory_space<vmem>>, vector<1x512x128xf32>
    %swap3A_109 = vector.shape_cast %swap3A_108 : vector<1x512x128xf32> to vector<512x128xf32>
    %swap3A_110 = vector.shape_cast %transpose3A_104 : vector<512x128xf32> to vector<1x512x128xf32>
    tpu.vector_store %arg3[%swap3A_105, %swap3A_106, %swap3A_107], %swap3A_110 {strides = array<i32>} : memref<13x1024x128xf32, #tpu.memory_space<vmem>>, vector<1x512x128xf32>,
    %get3A_111 = arith.constant 4 : index
    %get3A_112 = arith.constant 0 : index
    %get3A_113 = arith.constant 0 : index
    %get3A_114 = vector.load %arg2[%get3A_111, %get3A_112, %get3A_113] : memref<13x32x4096xf32, #tpu.memory_space<vmem>>, vector<1x32x4096xf32>
    %get3A_115 = vector.shape_cast %get3A_114 : vector<1x32x4096xf32> to vector<32x4096xf32>
    %slice3A_116 = vector.extract_strided_slice %get3A_115 {offsets = [0, 0], sizes = [32, 512], strides = [1, 1]} : vector<32x4096xf32> to vector<32x512xf32>
    %slice3A_117 = vector.extract_strided_slice %get3A_115 {offsets = [0, 512], sizes = [32, 512], strides = [1, 1]} : vector<32x4096xf32> to vector<32x512xf32>
    %slice3A_118 = vector.extract_strided_slice %get3A_115 {offsets = [0, 1024], sizes = [32, 512], strides = [1, 1]} : vector<32x4096xf32> to vector<32x512xf32>
    %slice3A_119 = vector.extract_strided_slice %get3A_115 {offsets = [0, 1536], sizes = [32, 512], strides = [1, 1]} : vector<32x4096xf32> to vector<32x512xf32>
    %concatenate3A_120 = tpu.concatenate %slice3A_116, %slice3A_117, %slice3A_118, %slice3A_119 in 0 : vector<32x512xf32>, vector<32x512xf32>, vector<32x512xf32>, vector<32x512xf32> -> vector<128x512xf32>
    %transpose3A_121 = tpu.transpose %concatenate3A_120, [1, 0] : vector<128x512xf32> -> vector<512x128xf32>
    %swap3A_122 = arith.constant 4 : index
    %swap3A_123 = arith.constant 0 : index
    %swap3A_124 = arith.constant 0 : index
    %swap3A_125 = vector.load %arg3[%swap3A_122, %swap3A_123, %swap3A_124] : memref<13x1024x128xf32, #tpu.memory_space<vmem>>, vector<1x512x128xf32>
    %swap3A_126 = vector.shape_cast %swap3A_125 : vector<1x512x128xf32> to vector<512x128xf32>
    %swap3A_127 = vector.shape_cast %transpose3A_121 : vector<512x128xf32> to vector<1x512x128xf32>
    tpu.vector_store %arg3[%swap3A_122, %swap3A_123, %swap3A_124], %swap3A_127 {strides = array<i32>} : memref<13x1024x128xf32, #tpu.memory_space<vmem>>, vector<1x512x128xf32>,
    %slice3A_128 = vector.extract_strided_slice %get3A_115 {offsets = [0, 2048], sizes = [32, 512], strides = [1, 1]} : vector<32x4096xf32> to vector<32x512xf32>
    %slice3A_129 = vector.extract_strided_slice %get3A_115 {offsets = [0, 2560], sizes = [32, 512], strides = [1, 1]} : vector<32x4096xf32> to vector<32x512xf32>
    %slice3A_130 = vector.extract_strided_slice %get3A_115 {offsets = [0, 3072], sizes = [32, 512], strides = [1, 1]} : vector<32x4096xf32> to vector<32x512xf32>
    %slice3A_131 = vector.extract_strided_slice %get3A_115 {offsets = [0, 3584], sizes = [32, 512], strides = [1, 1]} : vector<32x4096xf32> to vector<32x512xf32>
    %concatenate3A_132 = tpu.concatenate %slice3A_128, %slice3A_129, %slice3A_130, %slice3A_131 in 0 : vector<32x512xf32>, vector<32x512xf32>, vector<32x512xf32>, vector<32x512xf32> -> vector<128x512xf32>
    %transpose3A_133 = tpu.transpose %concatenate3A_132, [1, 0] : vector<128x512xf32> -> vector<512x128xf32>
    %swap3A_134 = arith.constant 4 : index
    %swap3A_135 = arith.constant 512 : index
    %swap3A_136 = arith.constant 0 : index
    %swap3A_137 = vector.load %arg3[%swap3A_134, %swap3A_135, %swap3A_136] : memref<13x1024x128xf32, #tpu.memory_space<vmem>>, vector<1x512x128xf32>
    %swap3A_138 = vector.shape_cast %swap3A_137 : vector<1x512x128xf32> to vector<512x128xf32>
    %swap3A_139 = vector.shape_cast %transpose3A_133 : vector<512x128xf32> to vector<1x512x128xf32>
    tpu.vector_store %arg3[%swap3A_134, %swap3A_135, %swap3A_136], %swap3A_139 {strides = array<i32>} : memref<13x1024x128xf32, #tpu.memory_space<vmem>>, vector<1x512x128xf32>,
    %get3A_140 = arith.constant 5 : index
    %get3A_141 = arith.constant 0 : index
    %get3A_142 = arith.constant 0 : index
    %get3A_143 = vector.load %arg2[%get3A_140, %get3A_141, %get3A_142] : memref<13x32x4096xf32, #tpu.memory_space<vmem>>, vector<1x32x4096xf32>
    %get3A_144 = vector.shape_cast %get3A_143 : vector<1x32x4096xf32> to vector<32x4096xf32>
    %slice3A_145 = vector.extract_strided_slice %get3A_144 {offsets = [0, 0], sizes = [32, 512], strides = [1, 1]} : vector<32x4096xf32> to vector<32x512xf32>
    %slice3A_146 = vector.extract_strided_slice %get3A_144 {offsets = [0, 512], sizes = [32, 512], strides = [1, 1]} : vector<32x4096xf32> to vector<32x512xf32>
    %slice3A_147 = vector.extract_strided_slice %get3A_144 {offsets = [0, 1024], sizes = [32, 512], strides = [1, 1]} : vector<32x4096xf32> to vector<32x512xf32>
    %slice3A_148 = vector.extract_strided_slice %get3A_144 {offsets = [0, 1536], sizes = [32, 512], strides = [1, 1]} : vector<32x4096xf32> to vector<32x512xf32>
    %concatenate3A_149 = tpu.concatenate %slice3A_145, %slice3A_146, %slice3A_147, %slice3A_148 in 0 : vector<32x512xf32>, vector<32x512xf32>, vector<32x512xf32>, vector<32x512xf32> -> vector<128x512xf32>
    %transpose3A_150 = tpu.transpose %concatenate3A_149, [1, 0] : vector<128x512xf32> -> vector<512x128xf32>
    %swap3A_151 = arith.constant 5 : index
    %swap3A_152 = arith.constant 0 : index
    %swap3A_153 = arith.constant 0 : index
    %swap3A_154 = vector.load %arg3[%swap3A_151, %swap3A_152, %swap3A_153] : memref<13x1024x128xf32, #tpu.memory_space<vmem>>, vector<1x512x128xf32>
    %swap3A_155 = vector.shape_cast %swap3A_154 : vector<1x512x128xf32> to vector<512x128xf32>
    %swap3A_156 = vector.shape_cast %transpose3A_150 : vector<512x128xf32> to vector<1x512x128xf32>
    tpu.vector_store %arg3[%swap3A_151, %swap3A_152, %swap3A_153], %swap3A_156 {strides = array<i32>} : memref<13x1024x128xf32, #tpu.memory_space<vmem>>, vector<1x512x128xf32>,
    %slice3A_157 = vector.extract_strided_slice %get3A_144 {offsets = [0, 2048], sizes = [32, 512], strides = [1, 1]} : vector<32x4096xf32> to vector<32x512xf32>
    %slice3A_158 = vector.extract_strided_slice %get3A_144 {offsets = [0, 2560], sizes = [32, 512], strides = [1, 1]} : vector<32x4096xf32> to vector<32x512xf32>
    %slice3A_159 = vector.extract_strided_slice %get3A_144 {offsets = [0, 3072], sizes = [32, 512], strides = [1, 1]} : vector<32x4096xf32> to vector<32x512xf32>
    %slice3A_160 = vector.extract_strided_slice %get3A_144 {offsets = [0, 3584], sizes = [32, 512], strides = [1, 1]} : vector<32x4096xf32> to vector<32x512xf32>
    %concatenate3A_161 = tpu.concatenate %slice3A_157, %slice3A_158, %slice3A_159, %slice3A_160 in 0 : vector<32x512xf32>, vector<32x512xf32>, vector<32x512xf32>, vector<32x512xf32> -> vector<128x512xf32>
    %transpose3A_162 = tpu.transpose %concatenate3A_161, [1, 0] : vector<128x512xf32> -> vector<512x128xf32>
    %swap3A_163 = arith.constant 5 : index
    %swap3A_164 = arith.constant 512 : index
    %swap3A_165 = arith.constant 0 : index
    %swap3A_166 = vector.load %arg3[%swap3A_163, %swap3A_164, %swap3A_165] : memref<13x1024x128xf32, #tpu.memory_space<vmem>>, vector<1x512x128xf32>
    %swap3A_167 = vector.shape_cast %swap3A_166 : vector<1x512x128xf32> to vector<512x128xf32>
    %swap3A_168 = vector.shape_cast %transpose3A_162 : vector<512x128xf32> to vector<1x512x128xf32>
    tpu.vector_store %arg3[%swap3A_163, %swap3A_164, %swap3A_165], %swap3A_168 {strides = array<i32>} : memref<13x1024x128xf32, #tpu.memory_space<vmem>>, vector<1x512x128xf32>,
    %get3A_169 = arith.constant 6 : index
    %get3A_170 = arith.constant 0 : index
    %get3A_171 = arith.constant 0 : index
    %get3A_172 = vector.load %arg2[%get3A_169, %get3A_170, %get3A_171] : memref<13x32x4096xf32, #tpu.memory_space<vmem>>, vector<1x32x4096xf32>
    %get3A_173 = vector.shape_cast %get3A_172 : vector<1x32x4096xf32> to vector<32x4096xf32>
    %slice3A_174 = vector.extract_strided_slice %get3A_173 {offsets = [0, 0], sizes = [32, 512], strides = [1, 1]} : vector<32x4096xf32> to vector<32x512xf32>
    %slice3A_175 = vector.extract_strided_slice %get3A_173 {offsets = [0, 512], sizes = [32, 512], strides = [1, 1]} : vector<32x4096xf32> to vector<32x512xf32>
    %slice3A_176 = vector.extract_strided_slice %get3A_173 {offsets = [0, 1024], sizes = [32, 512], strides = [1, 1]} : vector<32x4096xf32> to vector<32x512xf32>
    %slice3A_177 = vector.extract_strided_slice %get3A_173 {offsets = [0, 1536], sizes = [32, 512], strides = [1, 1]} : vector<32x4096xf32> to vector<32x512xf32>
    %concatenate3A_178 = tpu.concatenate %slice3A_174, %slice3A_175, %slice3A_176, %slice3A_177 in 0 : vector<32x512xf32>, vector<32x512xf32>, vector<32x512xf32>, vector<32x512xf32> -> vector<128x512xf32>
    %transpose3A_179 = tpu.transpose %concatenate3A_178, [1, 0] : vector<128x512xf32> -> vector<512x128xf32>
    %swap3A_180 = arith.constant 6 : index
    %swap3A_181 = arith.constant 0 : index
    %swap3A_182 = arith.constant 0 : index
    %swap3A_183 = vector.load %arg3[%swap3A_180, %swap3A_181, %swap3A_182] : memref<13x1024x128xf32, #tpu.memory_space<vmem>>, vector<1x512x128xf32>
    %swap3A_184 = vector.shape_cast %swap3A_183 : vector<1x512x128xf32> to vector<512x128xf32>
    %swap3A_185 = vector.shape_cast %transpose3A_179 : vector<512x128xf32> to vector<1x512x128xf32>
    tpu.vector_store %arg3[%swap3A_180, %swap3A_181, %swap3A_182], %swap3A_185 {strides = array<i32>} : memref<13x1024x128xf32, #tpu.memory_space<vmem>>, vector<1x512x128xf32>,
    %slice3A_186 = vector.extract_strided_slice %get3A_173 {offsets = [0, 2048], sizes = [32, 512], strides = [1, 1]} : vector<32x4096xf32> to vector<32x512xf32>
    %slice3A_187 = vector.extract_strided_slice %get3A_173 {offsets = [0, 2560], sizes = [32, 512], strides = [1, 1]} : vector<32x4096xf32> to vector<32x512xf32>
    %slice3A_188 = vector.extract_strided_slice %get3A_173 {offsets = [0, 3072], sizes = [32, 512], strides = [1, 1]} : vector<32x4096xf32> to vector<32x512xf32>
    %slice3A_189 = vector.extract_strided_slice %get3A_173 {offsets = [0, 3584], sizes = [32, 512], strides = [1, 1]} : vector<32x4096xf32> to vector<32x512xf32>
    %concatenate3A_190 = tpu.concatenate %slice3A_186, %slice3A_187, %slice3A_188, %slice3A_189 in 0 : vector<32x512xf32>, vector<32x512xf32>, vector<32x512xf32>, vector<32x512xf32> -> vector<128x512xf32>
    %transpose3A_191 = tpu.transpose %concatenate3A_190, [1, 0] : vector<128x512xf32> -> vector<512x128xf32>
    %swap3A_192 = arith.constant 6 : index
    %swap3A_193 = arith.constant 512 : index
    %swap3A_194 = arith.constant 0 : index
    %swap3A_195 = vector.load %arg3[%swap3A_192, %swap3A_193, %swap3A_194] : memref<13x1024x128xf32, #tpu.memory_space<vmem>>, vector<1x512x128xf32>
    %swap3A_196 = vector.shape_cast %swap3A_195 : vector<1x512x128xf32> to vector<512x128xf32>
    %swap3A_197 = vector.shape_cast %transpose3A_191 : vector<512x128xf32> to vector<1x512x128xf32>
    tpu.vector_store %arg3[%swap3A_192, %swap3A_193, %swap3A_194], %swap3A_197 {strides = array<i32>} : memref<13x1024x128xf32, #tpu.memory_space<vmem>>, vector<1x512x128xf32>,
    %get3A_198 = arith.constant 7 : index
    %get3A_199 = arith.constant 0 : index
    %get3A_200 = arith.constant 0 : index
    %get3A_201 = vector.load %arg2[%get3A_198, %get3A_199, %get3A_200] : memref<13x32x4096xf32, #tpu.memory_space<vmem>>, vector<1x32x4096xf32>
    %get3A_202 = vector.shape_cast %get3A_201 : vector<1x32x4096xf32> to vector<32x4096xf32>
    %slice3A_203 = vector.extract_strided_slice %get3A_202 {offsets = [0, 0], sizes = [32, 512], strides = [1, 1]} : vector<32x4096xf32> to vector<32x512xf32>
    %slice3A_204 = vector.extract_strided_slice %get3A_202 {offsets = [0, 512], sizes = [32, 512], strides = [1, 1]} : vector<32x4096xf32> to vector<32x512xf32>
    %slice3A_205 = vector.extract_strided_slice %get3A_202 {offsets = [0, 1024], sizes = [32, 512], strides = [1, 1]} : vector<32x4096xf32> to vector<32x512xf32>
    %slice3A_206 = vector.extract_strided_slice %get3A_202 {offsets = [0, 1536], sizes = [32, 512], strides = [1, 1]} : vector<32x4096xf32> to vector<32x512xf32>
    %concatenate3A_207 = tpu.concatenate %slice3A_203, %slice3A_204, %slice3A_205, %slice3A_206 in 0 : vector<32x512xf32>, vector<32x512xf32>, vector<32x512xf32>, vector<32x512xf32> -> vector<128x512xf32>
    %transpose3A_208 = tpu.transpose %concatenate3A_207, [1, 0] : vector<128x512xf32> -> vector<512x128xf32>
    %swap3A_209 = arith.constant 7 : index
    %swap3A_210 = arith.constant 0 : index
    %swap3A_211 = arith.constant 0 : index
    %swap3A_212 = vector.load %arg3[%swap3A_209, %swap3A_210, %swap3A_211] : memref<13x1024x128xf32, #tpu.memory_space<vmem>>, vector<1x512x128xf32>
    %swap3A_213 = vector.shape_cast %swap3A_212 : vector<1x512x128xf32> to vector<512x128xf32>
    %swap3A_214 = vector.shape_cast %transpose3A_208 : vector<512x128xf32> to vector<1x512x128xf32>
    tpu.vector_store %arg3[%swap3A_209, %swap3A_210, %swap3A_211], %swap3A_214 {strides = array<i32>} : memref<13x1024x128xf32, #tpu.memory_space<vmem>>, vector<1x512x128xf32>,
    %slice3A_215 = vector.extract_strided_slice %get3A_202 {offsets = [0, 2048], sizes = [32, 512], strides = [1, 1]} : vector<32x4096xf32> to vector<32x512xf32>
    %slice3A_216 = vector.extract_strided_slice %get3A_202 {offsets = [0, 2560], sizes = [32, 512], strides = [1, 1]} : vector<32x4096xf32> to vector<32x512xf32>
    %slice3A_217 = vector.extract_strided_slice %get3A_202 {offsets = [0, 3072], sizes = [32, 512], strides = [1, 1]} : vector<32x4096xf32> to vector<32x512xf32>
    %slice3A_218 = vector.extract_strided_slice %get3A_202 {offsets = [0, 3584], sizes = [32, 512], strides = [1, 1]} : vector<32x4096xf32> to vector<32x512xf32>
    %concatenate3A_219 = tpu.concatenate %slice3A_215, %slice3A_216, %slice3A_217, %slice3A_218 in 0 : vector<32x512xf32>, vector<32x512xf32>, vector<32x512xf32>, vector<32x512xf32> -> vector<128x512xf32>
    %transpose3A_220 = tpu.transpose %concatenate3A_219, [1, 0] : vector<128x512xf32> -> vector<512x128xf32>
    %swap3A_221 = arith.constant 7 : index
    %swap3A_222 = arith.constant 512 : index
    %swap3A_223 = arith.constant 0 : index
    %swap3A_224 = vector.load %arg3[%swap3A_221, %swap3A_222, %swap3A_223] : memref<13x1024x128xf32, #tpu.memory_space<vmem>>, vector<1x512x128xf32>
    %swap3A_225 = vector.shape_cast %swap3A_224 : vector<1x512x128xf32> to vector<512x128xf32>
    %swap3A_226 = vector.shape_cast %transpose3A_220 : vector<512x128xf32> to vector<1x512x128xf32>
    tpu.vector_store %arg3[%swap3A_221, %swap3A_222, %swap3A_223], %swap3A_226 {strides = array<i32>} : memref<13x1024x128xf32, #tpu.memory_space<vmem>>, vector<1x512x128xf32>,
    %get3A_227 = arith.constant 8 : index
    %get3A_228 = arith.constant 0 : index
    %get3A_229 = arith.constant 0 : index
    %get3A_230 = vector.load %arg2[%get3A_227, %get3A_228, %get3A_229] : memref<13x32x4096xf32, #tpu.memory_space<vmem>>, vector<1x32x4096xf32>
    %get3A_231 = vector.shape_cast %get3A_230 : vector<1x32x4096xf32> to vector<32x4096xf32>
    %slice3A_232 = vector.extract_strided_slice %get3A_231 {offsets = [0, 0], sizes = [32, 512], strides = [1, 1]} : vector<32x4096xf32> to vector<32x512xf32>
    %slice3A_233 = vector.extract_strided_slice %get3A_231 {offsets = [0, 512], sizes = [32, 512], strides = [1, 1]} : vector<32x4096xf32> to vector<32x512xf32>
    %slice3A_234 = vector.extract_strided_slice %get3A_231 {offsets = [0, 1024], sizes = [32, 512], strides = [1, 1]} : vector<32x4096xf32> to vector<32x512xf32>
    %slice3A_235 = vector.extract_strided_slice %get3A_231 {offsets = [0, 1536], sizes = [32, 512], strides = [1, 1]} : vector<32x4096xf32> to vector<32x512xf32>
    %concatenate3A_236 = tpu.concatenate %slice3A_232, %slice3A_233, %slice3A_234, %slice3A_235 in 0 : vector<32x512xf32>, vector<32x512xf32>, vector<32x512xf32>, vector<32x512xf32> -> vector<128x512xf32>
    %transpose3A_237 = tpu.transpose %concatenate3A_236, [1, 0] : vector<128x512xf32> -> vector<512x128xf32>
    %swap3A_238 = arith.constant 8 : index
    %swap3A_239 = arith.constant 0 : index
    %swap3A_240 = arith.constant 0 : index
    %swap3A_241 = vector.load %arg3[%swap3A_238, %swap3A_239, %swap3A_240] : memref<13x1024x128xf32, #tpu.memory_space<vmem>>, vector<1x512x128xf32>
    %swap3A_242 = vector.shape_cast %swap3A_241 : vector<1x512x128xf32> to vector<512x128xf32>
    %swap3A_243 = vector.shape_cast %transpose3A_237 : vector<512x128xf32> to vector<1x512x128xf32>
    tpu.vector_store %arg3[%swap3A_238, %swap3A_239, %swap3A_240], %swap3A_243 {strides = array<i32>} : memref<13x1024x128xf32, #tpu.memory_space<vmem>>, vector<1x512x128xf32>,
    %slice3A_244 = vector.extract_strided_slice %get3A_231 {offsets = [0, 2048], sizes = [32, 512], strides = [1, 1]} : vector<32x4096xf32> to vector<32x512xf32>
    %slice3A_245 = vector.extract_strided_slice %get3A_231 {offsets = [0, 2560], sizes = [32, 512], strides = [1, 1]} : vector<32x4096xf32> to vector<32x512xf32>
    %slice3A_246 = vector.extract_strided_slice %get3A_231 {offsets = [0, 3072], sizes = [32, 512], strides = [1, 1]} : vector<32x4096xf32> to vector<32x512xf32>
    %slice3A_247 = vector.extract_strided_slice %get3A_231 {offsets = [0, 3584], sizes = [32, 512], strides = [1, 1]} : vector<32x4096xf32> to vector<32x512xf32>
    %concatenate3A_248 = tpu.concatenate %slice3A_244, %slice3A_245, %slice3A_246, %slice3A_247 in 0 : vector<32x512xf32>, vector<32x512xf32>, vector<32x512xf32>, vector<32x512xf32> -> vector<128x512xf32>
    %transpose3A_249 = tpu.transpose %concatenate3A_248, [1, 0] : vector<128x512xf32> -> vector<512x128xf32>
    %swap3A_250 = arith.constant 8 : index
    %swap3A_251 = arith.constant 512 : index
    %swap3A_252 = arith.constant 0 : index
    %swap3A_253 = vector.load %arg3[%swap3A_250, %swap3A_251, %swap3A_252] : memref<13x1024x128xf32, #tpu.memory_space<vmem>>, vector<1x512x128xf32>
    %swap3A_254 = vector.shape_cast %swap3A_253 : vector<1x512x128xf32> to vector<512x128xf32>
    %swap3A_255 = vector.shape_cast %transpose3A_249 : vector<512x128xf32> to vector<1x512x128xf32>
    tpu.vector_store %arg3[%swap3A_250, %swap3A_251, %swap3A_252], %swap3A_255 {strides = array<i32>} : memref<13x1024x128xf32, #tpu.memory_space<vmem>>, vector<1x512x128xf32>,
    %get3A_256 = arith.constant 9 : index
    %get3A_257 = arith.constant 0 : index
    %get3A_258 = arith.constant 0 : index
    %get3A_259 = vector.load %arg2[%get3A_256, %get3A_257, %get3A_258] : memref<13x32x4096xf32, #tpu.memory_space<vmem>>, vector<1x32x4096xf32>
    %get3A_260 = vector.shape_cast %get3A_259 : vector<1x32x4096xf32> to vector<32x4096xf32>
    %slice3A_261 = vector.extract_strided_slice %get3A_260 {offsets = [0, 0], sizes = [32, 512], strides = [1, 1]} : vector<32x4096xf32> to vector<32x512xf32>
    %slice3A_262 = vector.extract_strided_slice %get3A_260 {offsets = [0, 512], sizes = [32, 512], strides = [1, 1]} : vector<32x4096xf32> to vector<32x512xf32>
    %slice3A_263 = vector.extract_strided_slice %get3A_260 {offsets = [0, 1024], sizes = [32, 512], strides = [1, 1]} : vector<32x4096xf32> to vector<32x512xf32>
    %slice3A_264 = vector.extract_strided_slice %get3A_260 {offsets = [0, 1536], sizes = [32, 512], strides = [1, 1]} : vector<32x4096xf32> to vector<32x512xf32>
    %concatenate3A_265 = tpu.concatenate %slice3A_261, %slice3A_262, %slice3A_263, %slice3A_264 in 0 : vector<32x512xf32>, vector<32x512xf32>, vector<32x512xf32>, vector<32x512xf32> -> vector<128x512xf32>
    %transpose3A_266 = tpu.transpose %concatenate3A_265, [1, 0] : vector<128x512xf32> -> vector<512x128xf32>
    %swap3A_267 = arith.constant 9 : index
    %swap3A_268 = arith.constant 0 : index
    %swap3A_269 = arith.constant 0 : index
    %swap3A_270 = vector.load %arg3[%swap3A_267, %swap3A_268, %swap3A_269] : memref<13x1024x128xf32, #tpu.memory_space<vmem>>, vector<1x512x128xf32>
    %swap3A_271 = vector.shape_cast %swap3A_270 : vector<1x512x128xf32> to vector<512x128xf32>
    %swap3A_272 = vector.shape_cast %transpose3A_266 : vector<512x128xf32> to vector<1x512x128xf32>
    tpu.vector_store %arg3[%swap3A_267, %swap3A_268, %swap3A_269], %swap3A_272 {strides = array<i32>} : memref<13x1024x128xf32, #tpu.memory_space<vmem>>, vector<1x512x128xf32>,
    %slice3A_273 = vector.extract_strided_slice %get3A_260 {offsets = [0, 2048], sizes = [32, 512], strides = [1, 1]} : vector<32x4096xf32> to vector<32x512xf32>
    %slice3A_274 = vector.extract_strided_slice %get3A_260 {offsets = [0, 2560], sizes = [32, 512], strides = [1, 1]} : vector<32x4096xf32> to vector<32x512xf32>
    %slice3A_275 = vector.extract_strided_slice %get3A_260 {offsets = [0, 3072], sizes = [32, 512], strides = [1, 1]} : vector<32x4096xf32> to vector<32x512xf32>
    %slice3A_276 = vector.extract_strided_slice %get3A_260 {offsets = [0, 3584], sizes = [32, 512], strides = [1, 1]} : vector<32x4096xf32> to vector<32x512xf32>
    %concatenate3A_277 = tpu.concatenate %slice3A_273, %slice3A_274, %slice3A_275, %slice3A_276 in 0 : vector<32x512xf32>, vector<32x512xf32>, vector<32x512xf32>, vector<32x512xf32> -> vector<128x512xf32>
    %transpose3A_278 = tpu.transpose %concatenate3A_277, [1, 0] : vector<128x512xf32> -> vector<512x128xf32>
    %swap3A_279 = arith.constant 9 : index
    %swap3A_280 = arith.constant 512 : index
    %swap3A_281 = arith.constant 0 : index
    %swap3A_282 = vector.load %arg3[%swap3A_279, %swap3A_280, %swap3A_281] : memref<13x1024x128xf32, #tpu.memory_space<vmem>>, vector<1x512x128xf32>
    %swap3A_283 = vector.shape_cast %swap3A_282 : vector<1x512x128xf32> to vector<512x128xf32>
    %swap3A_284 = vector.shape_cast %transpose3A_278 : vector<512x128xf32> to vector<1x512x128xf32>
    tpu.vector_store %arg3[%swap3A_279, %swap3A_280, %swap3A_281], %swap3A_284 {strides = array<i32>} : memref<13x1024x128xf32, #tpu.memory_space<vmem>>, vector<1x512x128xf32>,
    %get3A_285 = arith.constant 10 : index
    %get3A_286 = arith.constant 0 : index
    %get3A_287 = arith.constant 0 : index
    %get3A_288 = vector.load %arg2[%get3A_285, %get3A_286, %get3A_287] : memref<13x32x4096xf32, #tpu.memory_space<vmem>>, vector<1x32x4096xf32>
    %get3A_289 = vector.shape_cast %get3A_288 : vector<1x32x4096xf32> to vector<32x4096xf32>
    %slice3A_290 = vector.extract_strided_slice %get3A_289 {offsets = [0, 0], sizes = [32, 512], strides = [1, 1]} : vector<32x4096xf32> to vector<32x512xf32>
    %slice3A_291 = vector.extract_strided_slice %get3A_289 {offsets = [0, 512], sizes = [32, 512], strides = [1, 1]} : vector<32x4096xf32> to vector<32x512xf32>
    %slice3A_292 = vector.extract_strided_slice %get3A_289 {offsets = [0, 1024], sizes = [32, 512], strides = [1, 1]} : vector<32x4096xf32> to vector<32x512xf32>
    %slice3A_293 = vector.extract_strided_slice %get3A_289 {offsets = [0, 1536], sizes = [32, 512], strides = [1, 1]} : vector<32x4096xf32> to vector<32x512xf32>
    %concatenate3A_294 = tpu.concatenate %slice3A_290, %slice3A_291, %slice3A_292, %slice3A_293 in 0 : vector<32x512xf32>, vector<32x512xf32>, vector<32x512xf32>, vector<32x512xf32> -> vector<128x512xf32>
    %transpose3A_295 = tpu.transpose %concatenate3A_294, [1, 0] : vector<128x512xf32> -> vector<512x128xf32>
    %swap3A_296 = arith.constant 10 : index
    %swap3A_297 = arith.constant 0 : index
    %swap3A_298 = arith.constant 0 : index
    %swap3A_299 = vector.load %arg3[%swap3A_296, %swap3A_297, %swap3A_298] : memref<13x1024x128xf32, #tpu.memory_space<vmem>>, vector<1x512x128xf32>
    %swap3A_300 = vector.shape_cast %swap3A_299 : vector<1x512x128xf32> to vector<512x128xf32>
    %swap3A_301 = vector.shape_cast %transpose3A_295 : vector<512x128xf32> to vector<1x512x128xf32>
    tpu.vector_store %arg3[%swap3A_296, %swap3A_297, %swap3A_298], %swap3A_301 {strides = array<i32>} : memref<13x1024x128xf32, #tpu.memory_space<vmem>>, vector<1x512x128xf32>,
    %slice3A_302 = vector.extract_strided_slice %get3A_289 {offsets = [0, 2048], sizes = [32, 512], strides = [1, 1]} : vector<32x4096xf32> to vector<32x512xf32>
    %slice3A_303 = vector.extract_strided_slice %get3A_289 {offsets = [0, 2560], sizes = [32, 512], strides = [1, 1]} : vector<32x4096xf32> to vector<32x512xf32>
    %slice3A_304 = vector.extract_strided_slice %get3A_289 {offsets = [0, 3072], sizes = [32, 512], strides = [1, 1]} : vector<32x4096xf32> to vector<32x512xf32>
    %slice3A_305 = vector.extract_strided_slice %get3A_289 {offsets = [0, 3584], sizes = [32, 512], strides = [1, 1]} : vector<32x4096xf32> to vector<32x512xf32>
    %concatenate3A_306 = tpu.concatenate %slice3A_302, %slice3A_303, %slice3A_304, %slice3A_305 in 0 : vector<32x512xf32>, vector<32x512xf32>, vector<32x512xf32>, vector<32x512xf32> -> vector<128x512xf32>
    %transpose3A_307 = tpu.transpose %concatenate3A_306, [1, 0] : vector<128x512xf32> -> vector<512x128xf32>
    %swap3A_308 = arith.constant 10 : index
    %swap3A_309 = arith.constant 512 : index
    %swap3A_310 = arith.constant 0 : index
    %swap3A_311 = vector.load %arg3[%swap3A_308, %swap3A_309, %swap3A_310] : memref<13x1024x128xf32, #tpu.memory_space<vmem>>, vector<1x512x128xf32>
    %swap3A_312 = vector.shape_cast %swap3A_311 : vector<1x512x128xf32> to vector<512x128xf32>
    %swap3A_313 = vector.shape_cast %transpose3A_307 : vector<512x128xf32> to vector<1x512x128xf32>
    tpu.vector_store %arg3[%swap3A_308, %swap3A_309, %swap3A_310], %swap3A_313 {strides = array<i32>} : memref<13x1024x128xf32, #tpu.memory_space<vmem>>, vector<1x512x128xf32>,
    %get3A_314 = arith.constant 11 : index
    %get3A_315 = arith.constant 0 : index
    %get3A_316 = arith.constant 0 : index
    %get3A_317 = vector.load %arg2[%get3A_314, %get3A_315, %get3A_316] : memref<13x32x4096xf32, #tpu.memory_space<vmem>>, vector<1x32x4096xf32>
    %get3A_318 = vector.shape_cast %get3A_317 : vector<1x32x4096xf32> to vector<32x4096xf32>
    %slice3A_319 = vector.extract_strided_slice %get3A_318 {offsets = [0, 0], sizes = [32, 512], strides = [1, 1]} : vector<32x4096xf32> to vector<32x512xf32>
    %slice3A_320 = vector.extract_strided_slice %get3A_318 {offsets = [0, 512], sizes = [32, 512], strides = [1, 1]} : vector<32x4096xf32> to vector<32x512xf32>
    %slice3A_321 = vector.extract_strided_slice %get3A_318 {offsets = [0, 1024], sizes = [32, 512], strides = [1, 1]} : vector<32x4096xf32> to vector<32x512xf32>
    %slice3A_322 = vector.extract_strided_slice %get3A_318 {offsets = [0, 1536], sizes = [32, 512], strides = [1, 1]} : vector<32x4096xf32> to vector<32x512xf32>
    %concatenate3A_323 = tpu.concatenate %slice3A_319, %slice3A_320, %slice3A_321, %slice3A_322 in 0 : vector<32x512xf32>, vector<32x512xf32>, vector<32x512xf32>, vector<32x512xf32> -> vector<128x512xf32>
    %transpose3A_324 = tpu.transpose %concatenate3A_323, [1, 0] : vector<128x512xf32> -> vector<512x128xf32>
    %swap3A_325 = arith.constant 11 : index
    %swap3A_326 = arith.constant 0 : index
    %swap3A_327 = arith.constant 0 : index
    %swap3A_328 = vector.load %arg3[%swap3A_325, %swap3A_326, %swap3A_327] : memref<13x1024x128xf32, #tpu.memory_space<vmem>>, vector<1x512x128xf32>
    %swap3A_329 = vector.shape_cast %swap3A_328 : vector<1x512x128xf32> to vector<512x128xf32>
    %swap3A_330 = vector.shape_cast %transpose3A_324 : vector<512x128xf32> to vector<1x512x128xf32>
    tpu.vector_store %arg3[%swap3A_325, %swap3A_326, %swap3A_327], %swap3A_330 {strides = array<i32>} : memref<13x1024x128xf32, #tpu.memory_space<vmem>>, vector<1x512x128xf32>,
    %slice3A_331 = vector.extract_strided_slice %get3A_318 {offsets = [0, 2048], sizes = [32, 512], strides = [1, 1]} : vector<32x4096xf32> to vector<32x512xf32>
    %slice3A_332 = vector.extract_strided_slice %get3A_318 {offsets = [0, 2560], sizes = [32, 512], strides = [1, 1]} : vector<32x4096xf32> to vector<32x512xf32>
    %slice3A_333 = vector.extract_strided_slice %get3A_318 {offsets = [0, 3072], sizes = [32, 512], strides = [1, 1]} : vector<32x4096xf32> to vector<32x512xf32>
    %slice3A_334 = vector.extract_strided_slice %get3A_318 {offsets = [0, 3584], sizes = [32, 512], strides = [1, 1]} : vector<32x4096xf32> to vector<32x512xf32>
    %concatenate3A_335 = tpu.concatenate %slice3A_331, %slice3A_332, %slice3A_333, %slice3A_334 in 0 : vector<32x512xf32>, vector<32x512xf32>, vector<32x512xf32>, vector<32x512xf32> -> vector<128x512xf32>
    %transpose3A_336 = tpu.transpose %concatenate3A_335, [1, 0] : vector<128x512xf32> -> vector<512x128xf32>
    %swap3A_337 = arith.constant 11 : index
    %swap3A_338 = arith.constant 512 : index
    %swap3A_339 = arith.constant 0 : index
    %swap3A_340 = vector.load %arg3[%swap3A_337, %swap3A_338, %swap3A_339] : memref<13x1024x128xf32, #tpu.memory_space<vmem>>, vector<1x512x128xf32>
    %swap3A_341 = vector.shape_cast %swap3A_340 : vector<1x512x128xf32> to vector<512x128xf32>
    %swap3A_342 = vector.shape_cast %transpose3A_336 : vector<512x128xf32> to vector<1x512x128xf32>
    tpu.vector_store %arg3[%swap3A_337, %swap3A_338, %swap3A_339], %swap3A_342 {strides = array<i32>} : memref<13x1024x128xf32, #tpu.memory_space<vmem>>, vector<1x512x128xf32>,
    %get3A_343 = arith.constant 12 : index
    %get3A_344 = arith.constant 0 : index
    %get3A_345 = arith.constant 0 : index
    %get3A_346 = vector.load %arg2[%get3A_343, %get3A_344, %get3A_345] : memref<13x32x4096xf32, #tpu.memory_space<vmem>>, vector<1x32x4096xf32>
    %get3A_347 = vector.shape_cast %get3A_346 : vector<1x32x4096xf32> to vector<32x4096xf32>
    %slice3A_348 = vector.extract_strided_slice %get3A_347 {offsets = [0, 0], sizes = [32, 512], strides = [1, 1]} : vector<32x4096xf32> to vector<32x512xf32>
    %slice3A_349 = vector.extract_strided_slice %get3A_347 {offsets = [0, 512], sizes = [32, 512], strides = [1, 1]} : vector<32x4096xf32> to vector<32x512xf32>
    %slice3A_350 = vector.extract_strided_slice %get3A_347 {offsets = [0, 1024], sizes = [32, 512], strides = [1, 1]} : vector<32x4096xf32> to vector<32x512xf32>
    %slice3A_351 = vector.extract_strided_slice %get3A_347 {offsets = [0, 1536], sizes = [32, 512], strides = [1, 1]} : vector<32x4096xf32> to vector<32x512xf32>
    %concatenate3A_352 = tpu.concatenate %slice3A_348, %slice3A_349, %slice3A_350, %slice3A_351 in 0 : vector<32x512xf32>, vector<32x512xf32>, vector<32x512xf32>, vector<32x512xf32> -> vector<128x512xf32>
    %transpose3A_353 = tpu.transpose %concatenate3A_352, [1, 0] : vector<128x512xf32> -> vector<512x128xf32>
    %swap3A_354 = arith.constant 12 : index
    %swap3A_355 = arith.constant 0 : index
    %swap3A_356 = arith.constant 0 : index
    %swap3A_357 = vector.load %arg3[%swap3A_354, %swap3A_355, %swap3A_356] : memref<13x1024x128xf32, #tpu.memory_space<vmem>>, vector<1x512x128xf32>
    %swap3A_358 = vector.shape_cast %swap3A_357 : vector<1x512x128xf32> to vector<512x128xf32>
    %swap3A_359 = vector.shape_cast %transpose3A_353 : vector<512x128xf32> to vector<1x512x128xf32>
    tpu.vector_store %arg3[%swap3A_354, %swap3A_355, %swap3A_356], %swap3A_359 {strides = array<i32>} : memref<13x1024x128xf32, #tpu.memory_space<vmem>>, vector<1x512x128xf32>,
    %slice3A_360 = vector.extract_strided_slice %get3A_347 {offsets = [0, 2048], sizes = [32, 512], strides = [1, 1]} : vector<32x4096xf32> to vector<32x512xf32>
    %slice3A_361 = vector.extract_strided_slice %get3A_347 {offsets = [0, 2560], sizes = [32, 512], strides = [1, 1]} : vector<32x4096xf32> to vector<32x512xf32>
    %slice3A_362 = vector.extract_strided_slice %get3A_347 {offsets = [0, 3072], sizes = [32, 512], strides = [1, 1]} : vector<32x4096xf32> to vector<32x512xf32>
    %slice3A_363 = vector.extract_strided_slice %get3A_347 {offsets = [0, 3584], sizes = [32, 512], strides = [1, 1]} : vector<32x4096xf32> to vector<32x512xf32>
    %concatenate3A_364 = tpu.concatenate %slice3A_360, %slice3A_361, %slice3A_362, %slice3A_363 in 0 : vector<32x512xf32>, vector<32x512xf32>, vector<32x512xf32>, vector<32x512xf32> -> vector<128x512xf32>
    %transpose3A_365 = tpu.transpose %concatenate3A_364, [1, 0] : vector<128x512xf32> -> vector<512x128xf32>
    %swap3A_366 = arith.constant 12 : index
    %swap3A_367 = arith.constant 512 : index
    %swap3A_368 = arith.constant 0 : index
    %swap3A_369 = vector.load %arg3[%swap3A_366, %swap3A_367, %swap3A_368] : memref<13x1024x128xf32, #tpu.memory_space<vmem>>, vector<1x512x128xf32>
    %swap3A_370 = vector.shape_cast %swap3A_369 : vector<1x512x128xf32> to vector<512x128xf32>
    %swap3A_371 = vector.shape_cast %transpose3A_365 : vector<512x128xf32> to vector<1x512x128xf32>
    tpu.vector_store %arg3[%swap3A_366, %swap3A_367, %swap3A_368], %swap3A_371 {strides = array<i32>} : memref<13x1024x128xf32, #tpu.memory_space<vmem>>, vector<1x512x128xf32>,
    return
  }
  func.func @transform_0(%arg0: i32, %arg1: i32) -> (i32, i32, i32) {
    %c0_i32 = arith.constant 0 : i32
    %c0_i32_0 = arith.constant 0 : i32
    return %arg0, %c0_i32, %arg1 : i32, i32, i32
  }
  func.func @transform_1(%arg0: i32, %arg1: i32) -> (i32, i32, i32) {
    %c0_i32 = arith.constant 0 : i32
    %c0_i32_0 = arith.constant 0 : i32
    return %arg0, %arg1, %c0_i32 : i32, i32, i32
  }
}

module attributes {stable_mosaic.version = 14 : i64} {
  func.func @_mlp_body(%arg0: i32, %arg1: memref<256x52xf32, #tpu.memory_space<vmem>>, %arg2: memref<26x256x128xf32, #tpu.memory_space<vmem>>, %arg3: memref<52x512xf32, #tpu.memory_space<vmem>>, %arg4: memref<26x128x512xf32, #tpu.memory_space<vmem>>, %arg5: memref<512x512xf32, #tpu.memory_space<vmem>>, %arg6: memref<512x4xf32, #tpu.memory_space<vmem>>, %arg7: memref<1x512xf32, #tpu.memory_space<vmem>>, %arg8: memref<1x512xf32, #tpu.memory_space<vmem>>, %arg9: memref<1x1xf32, #tpu.memory_space<vmem>>, %arg10: memref<256x4xf32, #tpu.memory_space<vmem>>) attributes {dimension_semantics = [#tpu.dimension_semantics<arbitrary>], iteration_bounds = array<i64: 16>, scalar_prefetch = 0 : i64, scratch_operands = 0 : i64, tpu.core_type = #tpu.core_type<tc>, window_params = [{transform_indices = @transform_0, window_bounds = array<i64: 256, 52>}, {transform_indices = @transform_1, window_bounds = array<i64: 26, 256, 128>}, {pipeline_mode = #tpu.pipeline_mode<synchronous>, transform_indices = @transform_2, window_bounds = array<i64: 52, 512>}, {pipeline_mode = #tpu.pipeline_mode<synchronous>, transform_indices = @transform_3, window_bounds = array<i64: 26, 128, 512>}, {pipeline_mode = #tpu.pipeline_mode<synchronous>, transform_indices = @transform_4, window_bounds = array<i64: 512, 512>}, {pipeline_mode = #tpu.pipeline_mode<synchronous>, transform_indices = @transform_5, window_bounds = array<i64: 512, 4>}, {pipeline_mode = #tpu.pipeline_mode<synchronous>, transform_indices = @transform_6, window_bounds = array<i64: 1, 512>}, {pipeline_mode = #tpu.pipeline_mode<synchronous>, transform_indices = @transform_7, window_bounds = array<i64: 1, 512>}, {pipeline_mode = #tpu.pipeline_mode<synchronous>, transform_indices = @transform_8, window_bounds = array<i64: 1, 1>}, {transform_indices = @transform_9, window_bounds = array<i64: 256, 4>}]} {
    %get3A = arith.constant 0 : index
    %get3A_0 = arith.constant 0 : index
    %get3A_1 = vector.load %arg1[%get3A, %get3A_0] : memref<256x52xf32, #tpu.memory_space<vmem>>, vector<256x52xf32>
    %get3A_2 = arith.constant 0 : index
    %get3A_3 = arith.constant 0 : index
    %get3A_4 = vector.load %arg3[%get3A_2, %get3A_3] : memref<52x512xf32, #tpu.memory_space<vmem>>, vector<52x512xf32>
    %dot_general3A = arith.constant dense<0.000000e+00> : vector<256x512xf32>
    %dot_general3A_5 = tpu.matmul %get3A_1, %get3A_4, %dot_general3A {dimension_numbers = #tpu.dot_dimension_numbers<[1], [0], [0], [1], [0, 0, 1, 1], [], []>, transpose_lhs_hint = false} : vector<256x52xf32>, vector<52x512xf32>, vector<256x512xf32> -> vector<256x512xf32>
    %get3A_6 = arith.constant 0 : index
    %get3A_7 = arith.constant 0 : index
    %get3A_8 = arith.constant 0 : index
    %get3A_9 = vector.load %arg2[%get3A_6, %get3A_7, %get3A_8] : memref<26x256x128xf32, #tpu.memory_space<vmem>>, vector<1x256x128xf32>
    %get3A_10 = vector.shape_cast %get3A_9 : vector<1x256x128xf32> to vector<256x128xf32>
    %convert_element_type3A = arith.truncf %get3A_10 : vector<256x128xf32> to vector<256x128xbf16>
    %get3A_11 = arith.constant 0 : index
    %get3A_12 = arith.constant 0 : index
    %get3A_13 = arith.constant 0 : index
    %get3A_14 = vector.load %arg4[%get3A_11, %get3A_12, %get3A_13] : memref<26x128x512xf32, #tpu.memory_space<vmem>>, vector<1x128x512xf32>
    %get3A_15 = vector.shape_cast %get3A_14 : vector<1x128x512xf32> to vector<128x512xf32>
    %convert_element_type3A_16 = arith.truncf %get3A_15 : vector<128x512xf32> to vector<128x512xbf16>
    %dot_general3A_17 = arith.constant dense<0.000000e+00> : vector<256x512xf32>
    %dot_general3A_18 = tpu.matmul %convert_element_type3A, %convert_element_type3A_16, %dot_general3A_17 {dimension_numbers = #tpu.dot_dimension_numbers<[1], [0], [0], [1], [0, 0, 1, 1], [], []>, transpose_lhs_hint = false} : vector<256x128xbf16>, vector<128x512xbf16>, vector<256x512xf32> -> vector<256x512xf32>
    %add3A = arith.addf %dot_general3A_5, %dot_general3A_18 : vector<256x512xf32>
    %get3A_19 = arith.constant 1 : index
    %get3A_20 = arith.constant 0 : index
    %get3A_21 = arith.constant 0 : index
    %get3A_22 = vector.load %arg2[%get3A_19, %get3A_20, %get3A_21] : memref<26x256x128xf32, #tpu.memory_space<vmem>>, vector<1x256x128xf32>
    %get3A_23 = vector.shape_cast %get3A_22 : vector<1x256x128xf32> to vector<256x128xf32>
    %convert_element_type3A_24 = arith.truncf %get3A_23 : vector<256x128xf32> to vector<256x128xbf16>
    %get3A_25 = arith.constant 1 : index
    %get3A_26 = arith.constant 0 : index
    %get3A_27 = arith.constant 0 : index
    %get3A_28 = vector.load %arg4[%get3A_25, %get3A_26, %get3A_27] : memref<26x128x512xf32, #tpu.memory_space<vmem>>, vector<1x128x512xf32>
    %get3A_29 = vector.shape_cast %get3A_28 : vector<1x128x512xf32> to vector<128x512xf32>
    %convert_element_type3A_30 = arith.truncf %get3A_29 : vector<128x512xf32> to vector<128x512xbf16>
    %dot_general3A_31 = arith.constant dense<0.000000e+00> : vector<256x512xf32>
    %dot_general3A_32 = tpu.matmul %convert_element_type3A_24, %convert_element_type3A_30, %dot_general3A_31 {dimension_numbers = #tpu.dot_dimension_numbers<[1], [0], [0], [1], [0, 0, 1, 1], [], []>, transpose_lhs_hint = false} : vector<256x128xbf16>, vector<128x512xbf16>, vector<256x512xf32> -> vector<256x512xf32>
    %add3A_33 = arith.addf %add3A, %dot_general3A_32 : vector<256x512xf32>
    %get3A_34 = arith.constant 2 : index
    %get3A_35 = arith.constant 0 : index
    %get3A_36 = arith.constant 0 : index
    %get3A_37 = vector.load %arg2[%get3A_34, %get3A_35, %get3A_36] : memref<26x256x128xf32, #tpu.memory_space<vmem>>, vector<1x256x128xf32>
    %get3A_38 = vector.shape_cast %get3A_37 : vector<1x256x128xf32> to vector<256x128xf32>
    %convert_element_type3A_39 = arith.truncf %get3A_38 : vector<256x128xf32> to vector<256x128xbf16>
    %get3A_40 = arith.constant 2 : index
    %get3A_41 = arith.constant 0 : index
    %get3A_42 = arith.constant 0 : index
    %get3A_43 = vector.load %arg4[%get3A_40, %get3A_41, %get3A_42] : memref<26x128x512xf32, #tpu.memory_space<vmem>>, vector<1x128x512xf32>
    %get3A_44 = vector.shape_cast %get3A_43 : vector<1x128x512xf32> to vector<128x512xf32>
    %convert_element_type3A_45 = arith.truncf %get3A_44 : vector<128x512xf32> to vector<128x512xbf16>
    %dot_general3A_46 = arith.constant dense<0.000000e+00> : vector<256x512xf32>
    %dot_general3A_47 = tpu.matmul %convert_element_type3A_39, %convert_element_type3A_45, %dot_general3A_46 {dimension_numbers = #tpu.dot_dimension_numbers<[1], [0], [0], [1], [0, 0, 1, 1], [], []>, transpose_lhs_hint = false} : vector<256x128xbf16>, vector<128x512xbf16>, vector<256x512xf32> -> vector<256x512xf32>
    %add3A_48 = arith.addf %add3A_33, %dot_general3A_47 : vector<256x512xf32>
    %get3A_49 = arith.constant 3 : index
    %get3A_50 = arith.constant 0 : index
    %get3A_51 = arith.constant 0 : index
    %get3A_52 = vector.load %arg2[%get3A_49, %get3A_50, %get3A_51] : memref<26x256x128xf32, #tpu.memory_space<vmem>>, vector<1x256x128xf32>
    %get3A_53 = vector.shape_cast %get3A_52 : vector<1x256x128xf32> to vector<256x128xf32>
    %convert_element_type3A_54 = arith.truncf %get3A_53 : vector<256x128xf32> to vector<256x128xbf16>
    %get3A_55 = arith.constant 3 : index
    %get3A_56 = arith.constant 0 : index
    %get3A_57 = arith.constant 0 : index
    %get3A_58 = vector.load %arg4[%get3A_55, %get3A_56, %get3A_57] : memref<26x128x512xf32, #tpu.memory_space<vmem>>, vector<1x128x512xf32>
    %get3A_59 = vector.shape_cast %get3A_58 : vector<1x128x512xf32> to vector<128x512xf32>
    %convert_element_type3A_60 = arith.truncf %get3A_59 : vector<128x512xf32> to vector<128x512xbf16>
    %dot_general3A_61 = arith.constant dense<0.000000e+00> : vector<256x512xf32>
    %dot_general3A_62 = tpu.matmul %convert_element_type3A_54, %convert_element_type3A_60, %dot_general3A_61 {dimension_numbers = #tpu.dot_dimension_numbers<[1], [0], [0], [1], [0, 0, 1, 1], [], []>, transpose_lhs_hint = false} : vector<256x128xbf16>, vector<128x512xbf16>, vector<256x512xf32> -> vector<256x512xf32>
    %add3A_63 = arith.addf %add3A_48, %dot_general3A_62 : vector<256x512xf32>
    %get3A_64 = arith.constant 4 : index
    %get3A_65 = arith.constant 0 : index
    %get3A_66 = arith.constant 0 : index
    %get3A_67 = vector.load %arg2[%get3A_64, %get3A_65, %get3A_66] : memref<26x256x128xf32, #tpu.memory_space<vmem>>, vector<1x256x128xf32>
    %get3A_68 = vector.shape_cast %get3A_67 : vector<1x256x128xf32> to vector<256x128xf32>
    %convert_element_type3A_69 = arith.truncf %get3A_68 : vector<256x128xf32> to vector<256x128xbf16>
    %get3A_70 = arith.constant 4 : index
    %get3A_71 = arith.constant 0 : index
    %get3A_72 = arith.constant 0 : index
    %get3A_73 = vector.load %arg4[%get3A_70, %get3A_71, %get3A_72] : memref<26x128x512xf32, #tpu.memory_space<vmem>>, vector<1x128x512xf32>
    %get3A_74 = vector.shape_cast %get3A_73 : vector<1x128x512xf32> to vector<128x512xf32>
    %convert_element_type3A_75 = arith.truncf %get3A_74 : vector<128x512xf32> to vector<128x512xbf16>
    %dot_general3A_76 = arith.constant dense<0.000000e+00> : vector<256x512xf32>
    %dot_general3A_77 = tpu.matmul %convert_element_type3A_69, %convert_element_type3A_75, %dot_general3A_76 {dimension_numbers = #tpu.dot_dimension_numbers<[1], [0], [0], [1], [0, 0, 1, 1], [], []>, transpose_lhs_hint = false} : vector<256x128xbf16>, vector<128x512xbf16>, vector<256x512xf32> -> vector<256x512xf32>
    %add3A_78 = arith.addf %add3A_63, %dot_general3A_77 : vector<256x512xf32>
    %get3A_79 = arith.constant 5 : index
    %get3A_80 = arith.constant 0 : index
    %get3A_81 = arith.constant 0 : index
    %get3A_82 = vector.load %arg2[%get3A_79, %get3A_80, %get3A_81] : memref<26x256x128xf32, #tpu.memory_space<vmem>>, vector<1x256x128xf32>
    %get3A_83 = vector.shape_cast %get3A_82 : vector<1x256x128xf32> to vector<256x128xf32>
    %convert_element_type3A_84 = arith.truncf %get3A_83 : vector<256x128xf32> to vector<256x128xbf16>
    %get3A_85 = arith.constant 5 : index
    %get3A_86 = arith.constant 0 : index
    %get3A_87 = arith.constant 0 : index
    %get3A_88 = vector.load %arg4[%get3A_85, %get3A_86, %get3A_87] : memref<26x128x512xf32, #tpu.memory_space<vmem>>, vector<1x128x512xf32>
    %get3A_89 = vector.shape_cast %get3A_88 : vector<1x128x512xf32> to vector<128x512xf32>
    %convert_element_type3A_90 = arith.truncf %get3A_89 : vector<128x512xf32> to vector<128x512xbf16>
    %dot_general3A_91 = arith.constant dense<0.000000e+00> : vector<256x512xf32>
    %dot_general3A_92 = tpu.matmul %convert_element_type3A_84, %convert_element_type3A_90, %dot_general3A_91 {dimension_numbers = #tpu.dot_dimension_numbers<[1], [0], [0], [1], [0, 0, 1, 1], [], []>, transpose_lhs_hint = false} : vector<256x128xbf16>, vector<128x512xbf16>, vector<256x512xf32> -> vector<256x512xf32>
    %add3A_93 = arith.addf %add3A_78, %dot_general3A_92 : vector<256x512xf32>
    %get3A_94 = arith.constant 6 : index
    %get3A_95 = arith.constant 0 : index
    %get3A_96 = arith.constant 0 : index
    %get3A_97 = vector.load %arg2[%get3A_94, %get3A_95, %get3A_96] : memref<26x256x128xf32, #tpu.memory_space<vmem>>, vector<1x256x128xf32>
    %get3A_98 = vector.shape_cast %get3A_97 : vector<1x256x128xf32> to vector<256x128xf32>
    %convert_element_type3A_99 = arith.truncf %get3A_98 : vector<256x128xf32> to vector<256x128xbf16>
    %get3A_100 = arith.constant 6 : index
    %get3A_101 = arith.constant 0 : index
    %get3A_102 = arith.constant 0 : index
    %get3A_103 = vector.load %arg4[%get3A_100, %get3A_101, %get3A_102] : memref<26x128x512xf32, #tpu.memory_space<vmem>>, vector<1x128x512xf32>
    %get3A_104 = vector.shape_cast %get3A_103 : vector<1x128x512xf32> to vector<128x512xf32>
    %convert_element_type3A_105 = arith.truncf %get3A_104 : vector<128x512xf32> to vector<128x512xbf16>
    %dot_general3A_106 = arith.constant dense<0.000000e+00> : vector<256x512xf32>
    %dot_general3A_107 = tpu.matmul %convert_element_type3A_99, %convert_element_type3A_105, %dot_general3A_106 {dimension_numbers = #tpu.dot_dimension_numbers<[1], [0], [0], [1], [0, 0, 1, 1], [], []>, transpose_lhs_hint = false} : vector<256x128xbf16>, vector<128x512xbf16>, vector<256x512xf32> -> vector<256x512xf32>
    %add3A_108 = arith.addf %add3A_93, %dot_general3A_107 : vector<256x512xf32>
    %get3A_109 = arith.constant 7 : index
    %get3A_110 = arith.constant 0 : index
    %get3A_111 = arith.constant 0 : index
    %get3A_112 = vector.load %arg2[%get3A_109, %get3A_110, %get3A_111] : memref<26x256x128xf32, #tpu.memory_space<vmem>>, vector<1x256x128xf32>
    %get3A_113 = vector.shape_cast %get3A_112 : vector<1x256x128xf32> to vector<256x128xf32>
    %convert_element_type3A_114 = arith.truncf %get3A_113 : vector<256x128xf32> to vector<256x128xbf16>
    %get3A_115 = arith.constant 7 : index
    %get3A_116 = arith.constant 0 : index
    %get3A_117 = arith.constant 0 : index
    %get3A_118 = vector.load %arg4[%get3A_115, %get3A_116, %get3A_117] : memref<26x128x512xf32, #tpu.memory_space<vmem>>, vector<1x128x512xf32>
    %get3A_119 = vector.shape_cast %get3A_118 : vector<1x128x512xf32> to vector<128x512xf32>
    %convert_element_type3A_120 = arith.truncf %get3A_119 : vector<128x512xf32> to vector<128x512xbf16>
    %dot_general3A_121 = arith.constant dense<0.000000e+00> : vector<256x512xf32>
    %dot_general3A_122 = tpu.matmul %convert_element_type3A_114, %convert_element_type3A_120, %dot_general3A_121 {dimension_numbers = #tpu.dot_dimension_numbers<[1], [0], [0], [1], [0, 0, 1, 1], [], []>, transpose_lhs_hint = false} : vector<256x128xbf16>, vector<128x512xbf16>, vector<256x512xf32> -> vector<256x512xf32>
    %add3A_123 = arith.addf %add3A_108, %dot_general3A_122 : vector<256x512xf32>
    %get3A_124 = arith.constant 8 : index
    %get3A_125 = arith.constant 0 : index
    %get3A_126 = arith.constant 0 : index
    %get3A_127 = vector.load %arg2[%get3A_124, %get3A_125, %get3A_126] : memref<26x256x128xf32, #tpu.memory_space<vmem>>, vector<1x256x128xf32>
    %get3A_128 = vector.shape_cast %get3A_127 : vector<1x256x128xf32> to vector<256x128xf32>
    %convert_element_type3A_129 = arith.truncf %get3A_128 : vector<256x128xf32> to vector<256x128xbf16>
    %get3A_130 = arith.constant 8 : index
    %get3A_131 = arith.constant 0 : index
    %get3A_132 = arith.constant 0 : index
    %get3A_133 = vector.load %arg4[%get3A_130, %get3A_131, %get3A_132] : memref<26x128x512xf32, #tpu.memory_space<vmem>>, vector<1x128x512xf32>
    %get3A_134 = vector.shape_cast %get3A_133 : vector<1x128x512xf32> to vector<128x512xf32>
    %convert_element_type3A_135 = arith.truncf %get3A_134 : vector<128x512xf32> to vector<128x512xbf16>
    %dot_general3A_136 = arith.constant dense<0.000000e+00> : vector<256x512xf32>
    %dot_general3A_137 = tpu.matmul %convert_element_type3A_129, %convert_element_type3A_135, %dot_general3A_136 {dimension_numbers = #tpu.dot_dimension_numbers<[1], [0], [0], [1], [0, 0, 1, 1], [], []>, transpose_lhs_hint = false} : vector<256x128xbf16>, vector<128x512xbf16>, vector<256x512xf32> -> vector<256x512xf32>
    %add3A_138 = arith.addf %add3A_123, %dot_general3A_137 : vector<256x512xf32>
    %get3A_139 = arith.constant 9 : index
    %get3A_140 = arith.constant 0 : index
    %get3A_141 = arith.constant 0 : index
    %get3A_142 = vector.load %arg2[%get3A_139, %get3A_140, %get3A_141] : memref<26x256x128xf32, #tpu.memory_space<vmem>>, vector<1x256x128xf32>
    %get3A_143 = vector.shape_cast %get3A_142 : vector<1x256x128xf32> to vector<256x128xf32>
    %convert_element_type3A_144 = arith.truncf %get3A_143 : vector<256x128xf32> to vector<256x128xbf16>
    %get3A_145 = arith.constant 9 : index
    %get3A_146 = arith.constant 0 : index
    %get3A_147 = arith.constant 0 : index
    %get3A_148 = vector.load %arg4[%get3A_145, %get3A_146, %get3A_147] : memref<26x128x512xf32, #tpu.memory_space<vmem>>, vector<1x128x512xf32>
    %get3A_149 = vector.shape_cast %get3A_148 : vector<1x128x512xf32> to vector<128x512xf32>
    %convert_element_type3A_150 = arith.truncf %get3A_149 : vector<128x512xf32> to vector<128x512xbf16>
    %dot_general3A_151 = arith.constant dense<0.000000e+00> : vector<256x512xf32>
    %dot_general3A_152 = tpu.matmul %convert_element_type3A_144, %convert_element_type3A_150, %dot_general3A_151 {dimension_numbers = #tpu.dot_dimension_numbers<[1], [0], [0], [1], [0, 0, 1, 1], [], []>, transpose_lhs_hint = false} : vector<256x128xbf16>, vector<128x512xbf16>, vector<256x512xf32> -> vector<256x512xf32>
    %add3A_153 = arith.addf %add3A_138, %dot_general3A_152 : vector<256x512xf32>
    %get3A_154 = arith.constant 10 : index
    %get3A_155 = arith.constant 0 : index
    %get3A_156 = arith.constant 0 : index
    %get3A_157 = vector.load %arg2[%get3A_154, %get3A_155, %get3A_156] : memref<26x256x128xf32, #tpu.memory_space<vmem>>, vector<1x256x128xf32>
    %get3A_158 = vector.shape_cast %get3A_157 : vector<1x256x128xf32> to vector<256x128xf32>
    %convert_element_type3A_159 = arith.truncf %get3A_158 : vector<256x128xf32> to vector<256x128xbf16>
    %get3A_160 = arith.constant 10 : index
    %get3A_161 = arith.constant 0 : index
    %get3A_162 = arith.constant 0 : index
    %get3A_163 = vector.load %arg4[%get3A_160, %get3A_161, %get3A_162] : memref<26x128x512xf32, #tpu.memory_space<vmem>>, vector<1x128x512xf32>
    %get3A_164 = vector.shape_cast %get3A_163 : vector<1x128x512xf32> to vector<128x512xf32>
    %convert_element_type3A_165 = arith.truncf %get3A_164 : vector<128x512xf32> to vector<128x512xbf16>
    %dot_general3A_166 = arith.constant dense<0.000000e+00> : vector<256x512xf32>
    %dot_general3A_167 = tpu.matmul %convert_element_type3A_159, %convert_element_type3A_165, %dot_general3A_166 {dimension_numbers = #tpu.dot_dimension_numbers<[1], [0], [0], [1], [0, 0, 1, 1], [], []>, transpose_lhs_hint = false} : vector<256x128xbf16>, vector<128x512xbf16>, vector<256x512xf32> -> vector<256x512xf32>
    %add3A_168 = arith.addf %add3A_153, %dot_general3A_167 : vector<256x512xf32>
    %get3A_169 = arith.constant 11 : index
    %get3A_170 = arith.constant 0 : index
    %get3A_171 = arith.constant 0 : index
    %get3A_172 = vector.load %arg2[%get3A_169, %get3A_170, %get3A_171] : memref<26x256x128xf32, #tpu.memory_space<vmem>>, vector<1x256x128xf32>
    %get3A_173 = vector.shape_cast %get3A_172 : vector<1x256x128xf32> to vector<256x128xf32>
    %convert_element_type3A_174 = arith.truncf %get3A_173 : vector<256x128xf32> to vector<256x128xbf16>
    %get3A_175 = arith.constant 11 : index
    %get3A_176 = arith.constant 0 : index
    %get3A_177 = arith.constant 0 : index
    %get3A_178 = vector.load %arg4[%get3A_175, %get3A_176, %get3A_177] : memref<26x128x512xf32, #tpu.memory_space<vmem>>, vector<1x128x512xf32>
    %get3A_179 = vector.shape_cast %get3A_178 : vector<1x128x512xf32> to vector<128x512xf32>
    %convert_element_type3A_180 = arith.truncf %get3A_179 : vector<128x512xf32> to vector<128x512xbf16>
    %dot_general3A_181 = arith.constant dense<0.000000e+00> : vector<256x512xf32>
    %dot_general3A_182 = tpu.matmul %convert_element_type3A_174, %convert_element_type3A_180, %dot_general3A_181 {dimension_numbers = #tpu.dot_dimension_numbers<[1], [0], [0], [1], [0, 0, 1, 1], [], []>, transpose_lhs_hint = false} : vector<256x128xbf16>, vector<128x512xbf16>, vector<256x512xf32> -> vector<256x512xf32>
    %add3A_183 = arith.addf %add3A_168, %dot_general3A_182 : vector<256x512xf32>
    %get3A_184 = arith.constant 12 : index
    %get3A_185 = arith.constant 0 : index
    %get3A_186 = arith.constant 0 : index
    %get3A_187 = vector.load %arg2[%get3A_184, %get3A_185, %get3A_186] : memref<26x256x128xf32, #tpu.memory_space<vmem>>, vector<1x256x128xf32>
    %get3A_188 = vector.shape_cast %get3A_187 : vector<1x256x128xf32> to vector<256x128xf32>
    %convert_element_type3A_189 = arith.truncf %get3A_188 : vector<256x128xf32> to vector<256x128xbf16>
    %get3A_190 = arith.constant 12 : index
    %get3A_191 = arith.constant 0 : index
    %get3A_192 = arith.constant 0 : index
    %get3A_193 = vector.load %arg4[%get3A_190, %get3A_191, %get3A_192] : memref<26x128x512xf32, #tpu.memory_space<vmem>>, vector<1x128x512xf32>
    %get3A_194 = vector.shape_cast %get3A_193 : vector<1x128x512xf32> to vector<128x512xf32>
    %convert_element_type3A_195 = arith.truncf %get3A_194 : vector<128x512xf32> to vector<128x512xbf16>
    %dot_general3A_196 = arith.constant dense<0.000000e+00> : vector<256x512xf32>
    %dot_general3A_197 = tpu.matmul %convert_element_type3A_189, %convert_element_type3A_195, %dot_general3A_196 {dimension_numbers = #tpu.dot_dimension_numbers<[1], [0], [0], [1], [0, 0, 1, 1], [], []>, transpose_lhs_hint = false} : vector<256x128xbf16>, vector<128x512xbf16>, vector<256x512xf32> -> vector<256x512xf32>
    %add3A_198 = arith.addf %add3A_183, %dot_general3A_197 : vector<256x512xf32>
    %get3A_199 = arith.constant 13 : index
    %get3A_200 = arith.constant 0 : index
    %get3A_201 = arith.constant 0 : index
    %get3A_202 = vector.load %arg2[%get3A_199, %get3A_200, %get3A_201] : memref<26x256x128xf32, #tpu.memory_space<vmem>>, vector<1x256x128xf32>
    %get3A_203 = vector.shape_cast %get3A_202 : vector<1x256x128xf32> to vector<256x128xf32>
    %convert_element_type3A_204 = arith.truncf %get3A_203 : vector<256x128xf32> to vector<256x128xbf16>
    %get3A_205 = arith.constant 13 : index
    %get3A_206 = arith.constant 0 : index
    %get3A_207 = arith.constant 0 : index
    %get3A_208 = vector.load %arg4[%get3A_205, %get3A_206, %get3A_207] : memref<26x128x512xf32, #tpu.memory_space<vmem>>, vector<1x128x512xf32>
    %get3A_209 = vector.shape_cast %get3A_208 : vector<1x128x512xf32> to vector<128x512xf32>
    %convert_element_type3A_210 = arith.truncf %get3A_209 : vector<128x512xf32> to vector<128x512xbf16>
    %dot_general3A_211 = arith.constant dense<0.000000e+00> : vector<256x512xf32>
    %dot_general3A_212 = tpu.matmul %convert_element_type3A_204, %convert_element_type3A_210, %dot_general3A_211 {dimension_numbers = #tpu.dot_dimension_numbers<[1], [0], [0], [1], [0, 0, 1, 1], [], []>, transpose_lhs_hint = false} : vector<256x128xbf16>, vector<128x512xbf16>, vector<256x512xf32> -> vector<256x512xf32>
    %add3A_213 = arith.addf %add3A_198, %dot_general3A_212 : vector<256x512xf32>
    %get3A_214 = arith.constant 14 : index
    %get3A_215 = arith.constant 0 : index
    %get3A_216 = arith.constant 0 : index
    %get3A_217 = vector.load %arg2[%get3A_214, %get3A_215, %get3A_216] : memref<26x256x128xf32, #tpu.memory_space<vmem>>, vector<1x256x128xf32>
    %get3A_218 = vector.shape_cast %get3A_217 : vector<1x256x128xf32> to vector<256x128xf32>
    %convert_element_type3A_219 = arith.truncf %get3A_218 : vector<256x128xf32> to vector<256x128xbf16>
    %get3A_220 = arith.constant 14 : index
    %get3A_221 = arith.constant 0 : index
    %get3A_222 = arith.constant 0 : index
    %get3A_223 = vector.load %arg4[%get3A_220, %get3A_221, %get3A_222] : memref<26x128x512xf32, #tpu.memory_space<vmem>>, vector<1x128x512xf32>
    %get3A_224 = vector.shape_cast %get3A_223 : vector<1x128x512xf32> to vector<128x512xf32>
    %convert_element_type3A_225 = arith.truncf %get3A_224 : vector<128x512xf32> to vector<128x512xbf16>
    %dot_general3A_226 = arith.constant dense<0.000000e+00> : vector<256x512xf32>
    %dot_general3A_227 = tpu.matmul %convert_element_type3A_219, %convert_element_type3A_225, %dot_general3A_226 {dimension_numbers = #tpu.dot_dimension_numbers<[1], [0], [0], [1], [0, 0, 1, 1], [], []>, transpose_lhs_hint = false} : vector<256x128xbf16>, vector<128x512xbf16>, vector<256x512xf32> -> vector<256x512xf32>
    %add3A_228 = arith.addf %add3A_213, %dot_general3A_227 : vector<256x512xf32>
    %get3A_229 = arith.constant 15 : index
    %get3A_230 = arith.constant 0 : index
    %get3A_231 = arith.constant 0 : index
    %get3A_232 = vector.load %arg2[%get3A_229, %get3A_230, %get3A_231] : memref<26x256x128xf32, #tpu.memory_space<vmem>>, vector<1x256x128xf32>
    %get3A_233 = vector.shape_cast %get3A_232 : vector<1x256x128xf32> to vector<256x128xf32>
    %convert_element_type3A_234 = arith.truncf %get3A_233 : vector<256x128xf32> to vector<256x128xbf16>
    %get3A_235 = arith.constant 15 : index
    %get3A_236 = arith.constant 0 : index
    %get3A_237 = arith.constant 0 : index
    %get3A_238 = vector.load %arg4[%get3A_235, %get3A_236, %get3A_237] : memref<26x128x512xf32, #tpu.memory_space<vmem>>, vector<1x128x512xf32>
    %get3A_239 = vector.shape_cast %get3A_238 : vector<1x128x512xf32> to vector<128x512xf32>
    %convert_element_type3A_240 = arith.truncf %get3A_239 : vector<128x512xf32> to vector<128x512xbf16>
    %dot_general3A_241 = arith.constant dense<0.000000e+00> : vector<256x512xf32>
    %dot_general3A_242 = tpu.matmul %convert_element_type3A_234, %convert_element_type3A_240, %dot_general3A_241 {dimension_numbers = #tpu.dot_dimension_numbers<[1], [0], [0], [1], [0, 0, 1, 1], [], []>, transpose_lhs_hint = false} : vector<256x128xbf16>, vector<128x512xbf16>, vector<256x512xf32> -> vector<256x512xf32>
    %add3A_243 = arith.addf %add3A_228, %dot_general3A_242 : vector<256x512xf32>
    %get3A_244 = arith.constant 16 : index
    %get3A_245 = arith.constant 0 : index
    %get3A_246 = arith.constant 0 : index
    %get3A_247 = vector.load %arg2[%get3A_244, %get3A_245, %get3A_246] : memref<26x256x128xf32, #tpu.memory_space<vmem>>, vector<1x256x128xf32>
    %get3A_248 = vector.shape_cast %get3A_247 : vector<1x256x128xf32> to vector<256x128xf32>
    %convert_element_type3A_249 = arith.truncf %get3A_248 : vector<256x128xf32> to vector<256x128xbf16>
    %get3A_250 = arith.constant 16 : index
    %get3A_251 = arith.constant 0 : index
    %get3A_252 = arith.constant 0 : index
    %get3A_253 = vector.load %arg4[%get3A_250, %get3A_251, %get3A_252] : memref<26x128x512xf32, #tpu.memory_space<vmem>>, vector<1x128x512xf32>
    %get3A_254 = vector.shape_cast %get3A_253 : vector<1x128x512xf32> to vector<128x512xf32>
    %convert_element_type3A_255 = arith.truncf %get3A_254 : vector<128x512xf32> to vector<128x512xbf16>
    %dot_general3A_256 = arith.constant dense<0.000000e+00> : vector<256x512xf32>
    %dot_general3A_257 = tpu.matmul %convert_element_type3A_249, %convert_element_type3A_255, %dot_general3A_256 {dimension_numbers = #tpu.dot_dimension_numbers<[1], [0], [0], [1], [0, 0, 1, 1], [], []>, transpose_lhs_hint = false} : vector<256x128xbf16>, vector<128x512xbf16>, vector<256x512xf32> -> vector<256x512xf32>
    %add3A_258 = arith.addf %add3A_243, %dot_general3A_257 : vector<256x512xf32>
    %get3A_259 = arith.constant 17 : index
    %get3A_260 = arith.constant 0 : index
    %get3A_261 = arith.constant 0 : index
    %get3A_262 = vector.load %arg2[%get3A_259, %get3A_260, %get3A_261] : memref<26x256x128xf32, #tpu.memory_space<vmem>>, vector<1x256x128xf32>
    %get3A_263 = vector.shape_cast %get3A_262 : vector<1x256x128xf32> to vector<256x128xf32>
    %convert_element_type3A_264 = arith.truncf %get3A_263 : vector<256x128xf32> to vector<256x128xbf16>
    %get3A_265 = arith.constant 17 : index
    %get3A_266 = arith.constant 0 : index
    %get3A_267 = arith.constant 0 : index
    %get3A_268 = vector.load %arg4[%get3A_265, %get3A_266, %get3A_267] : memref<26x128x512xf32, #tpu.memory_space<vmem>>, vector<1x128x512xf32>
    %get3A_269 = vector.shape_cast %get3A_268 : vector<1x128x512xf32> to vector<128x512xf32>
    %convert_element_type3A_270 = arith.truncf %get3A_269 : vector<128x512xf32> to vector<128x512xbf16>
    %dot_general3A_271 = arith.constant dense<0.000000e+00> : vector<256x512xf32>
    %dot_general3A_272 = tpu.matmul %convert_element_type3A_264, %convert_element_type3A_270, %dot_general3A_271 {dimension_numbers = #tpu.dot_dimension_numbers<[1], [0], [0], [1], [0, 0, 1, 1], [], []>, transpose_lhs_hint = false} : vector<256x128xbf16>, vector<128x512xbf16>, vector<256x512xf32> -> vector<256x512xf32>
    %add3A_273 = arith.addf %add3A_258, %dot_general3A_272 : vector<256x512xf32>
    %get3A_274 = arith.constant 18 : index
    %get3A_275 = arith.constant 0 : index
    %get3A_276 = arith.constant 0 : index
    %get3A_277 = vector.load %arg2[%get3A_274, %get3A_275, %get3A_276] : memref<26x256x128xf32, #tpu.memory_space<vmem>>, vector<1x256x128xf32>
    %get3A_278 = vector.shape_cast %get3A_277 : vector<1x256x128xf32> to vector<256x128xf32>
    %convert_element_type3A_279 = arith.truncf %get3A_278 : vector<256x128xf32> to vector<256x128xbf16>
    %get3A_280 = arith.constant 18 : index
    %get3A_281 = arith.constant 0 : index
    %get3A_282 = arith.constant 0 : index
    %get3A_283 = vector.load %arg4[%get3A_280, %get3A_281, %get3A_282] : memref<26x128x512xf32, #tpu.memory_space<vmem>>, vector<1x128x512xf32>
    %get3A_284 = vector.shape_cast %get3A_283 : vector<1x128x512xf32> to vector<128x512xf32>
    %convert_element_type3A_285 = arith.truncf %get3A_284 : vector<128x512xf32> to vector<128x512xbf16>
    %dot_general3A_286 = arith.constant dense<0.000000e+00> : vector<256x512xf32>
    %dot_general3A_287 = tpu.matmul %convert_element_type3A_279, %convert_element_type3A_285, %dot_general3A_286 {dimension_numbers = #tpu.dot_dimension_numbers<[1], [0], [0], [1], [0, 0, 1, 1], [], []>, transpose_lhs_hint = false} : vector<256x128xbf16>, vector<128x512xbf16>, vector<256x512xf32> -> vector<256x512xf32>
    %add3A_288 = arith.addf %add3A_273, %dot_general3A_287 : vector<256x512xf32>
    %get3A_289 = arith.constant 19 : index
    %get3A_290 = arith.constant 0 : index
    %get3A_291 = arith.constant 0 : index
    %get3A_292 = vector.load %arg2[%get3A_289, %get3A_290, %get3A_291] : memref<26x256x128xf32, #tpu.memory_space<vmem>>, vector<1x256x128xf32>
    %get3A_293 = vector.shape_cast %get3A_292 : vector<1x256x128xf32> to vector<256x128xf32>
    %convert_element_type3A_294 = arith.truncf %get3A_293 : vector<256x128xf32> to vector<256x128xbf16>
    %get3A_295 = arith.constant 19 : index
    %get3A_296 = arith.constant 0 : index
    %get3A_297 = arith.constant 0 : index
    %get3A_298 = vector.load %arg4[%get3A_295, %get3A_296, %get3A_297] : memref<26x128x512xf32, #tpu.memory_space<vmem>>, vector<1x128x512xf32>
    %get3A_299 = vector.shape_cast %get3A_298 : vector<1x128x512xf32> to vector<128x512xf32>
    %convert_element_type3A_300 = arith.truncf %get3A_299 : vector<128x512xf32> to vector<128x512xbf16>
    %dot_general3A_301 = arith.constant dense<0.000000e+00> : vector<256x512xf32>
    %dot_general3A_302 = tpu.matmul %convert_element_type3A_294, %convert_element_type3A_300, %dot_general3A_301 {dimension_numbers = #tpu.dot_dimension_numbers<[1], [0], [0], [1], [0, 0, 1, 1], [], []>, transpose_lhs_hint = false} : vector<256x128xbf16>, vector<128x512xbf16>, vector<256x512xf32> -> vector<256x512xf32>
    %add3A_303 = arith.addf %add3A_288, %dot_general3A_302 : vector<256x512xf32>
    %get3A_304 = arith.constant 20 : index
    %get3A_305 = arith.constant 0 : index
    %get3A_306 = arith.constant 0 : index
    %get3A_307 = vector.load %arg2[%get3A_304, %get3A_305, %get3A_306] : memref<26x256x128xf32, #tpu.memory_space<vmem>>, vector<1x256x128xf32>
    %get3A_308 = vector.shape_cast %get3A_307 : vector<1x256x128xf32> to vector<256x128xf32>
    %convert_element_type3A_309 = arith.truncf %get3A_308 : vector<256x128xf32> to vector<256x128xbf16>
    %get3A_310 = arith.constant 20 : index
    %get3A_311 = arith.constant 0 : index
    %get3A_312 = arith.constant 0 : index
    %get3A_313 = vector.load %arg4[%get3A_310, %get3A_311, %get3A_312] : memref<26x128x512xf32, #tpu.memory_space<vmem>>, vector<1x128x512xf32>
    %get3A_314 = vector.shape_cast %get3A_313 : vector<1x128x512xf32> to vector<128x512xf32>
    %convert_element_type3A_315 = arith.truncf %get3A_314 : vector<128x512xf32> to vector<128x512xbf16>
    %dot_general3A_316 = arith.constant dense<0.000000e+00> : vector<256x512xf32>
    %dot_general3A_317 = tpu.matmul %convert_element_type3A_309, %convert_element_type3A_315, %dot_general3A_316 {dimension_numbers = #tpu.dot_dimension_numbers<[1], [0], [0], [1], [0, 0, 1, 1], [], []>, transpose_lhs_hint = false} : vector<256x128xbf16>, vector<128x512xbf16>, vector<256x512xf32> -> vector<256x512xf32>
    %add3A_318 = arith.addf %add3A_303, %dot_general3A_317 : vector<256x512xf32>
    %get3A_319 = arith.constant 21 : index
    %get3A_320 = arith.constant 0 : index
    %get3A_321 = arith.constant 0 : index
    %get3A_322 = vector.load %arg2[%get3A_319, %get3A_320, %get3A_321] : memref<26x256x128xf32, #tpu.memory_space<vmem>>, vector<1x256x128xf32>
    %get3A_323 = vector.shape_cast %get3A_322 : vector<1x256x128xf32> to vector<256x128xf32>
    %convert_element_type3A_324 = arith.truncf %get3A_323 : vector<256x128xf32> to vector<256x128xbf16>
    %get3A_325 = arith.constant 21 : index
    %get3A_326 = arith.constant 0 : index
    %get3A_327 = arith.constant 0 : index
    %get3A_328 = vector.load %arg4[%get3A_325, %get3A_326, %get3A_327] : memref<26x128x512xf32, #tpu.memory_space<vmem>>, vector<1x128x512xf32>
    %get3A_329 = vector.shape_cast %get3A_328 : vector<1x128x512xf32> to vector<128x512xf32>
    %convert_element_type3A_330 = arith.truncf %get3A_329 : vector<128x512xf32> to vector<128x512xbf16>
    %dot_general3A_331 = arith.constant dense<0.000000e+00> : vector<256x512xf32>
    %dot_general3A_332 = tpu.matmul %convert_element_type3A_324, %convert_element_type3A_330, %dot_general3A_331 {dimension_numbers = #tpu.dot_dimension_numbers<[1], [0], [0], [1], [0, 0, 1, 1], [], []>, transpose_lhs_hint = false} : vector<256x128xbf16>, vector<128x512xbf16>, vector<256x512xf32> -> vector<256x512xf32>
    %add3A_333 = arith.addf %add3A_318, %dot_general3A_332 : vector<256x512xf32>
    %get3A_334 = arith.constant 22 : index
    %get3A_335 = arith.constant 0 : index
    %get3A_336 = arith.constant 0 : index
    %get3A_337 = vector.load %arg2[%get3A_334, %get3A_335, %get3A_336] : memref<26x256x128xf32, #tpu.memory_space<vmem>>, vector<1x256x128xf32>
    %get3A_338 = vector.shape_cast %get3A_337 : vector<1x256x128xf32> to vector<256x128xf32>
    %convert_element_type3A_339 = arith.truncf %get3A_338 : vector<256x128xf32> to vector<256x128xbf16>
    %get3A_340 = arith.constant 22 : index
    %get3A_341 = arith.constant 0 : index
    %get3A_342 = arith.constant 0 : index
    %get3A_343 = vector.load %arg4[%get3A_340, %get3A_341, %get3A_342] : memref<26x128x512xf32, #tpu.memory_space<vmem>>, vector<1x128x512xf32>
    %get3A_344 = vector.shape_cast %get3A_343 : vector<1x128x512xf32> to vector<128x512xf32>
    %convert_element_type3A_345 = arith.truncf %get3A_344 : vector<128x512xf32> to vector<128x512xbf16>
    %dot_general3A_346 = arith.constant dense<0.000000e+00> : vector<256x512xf32>
    %dot_general3A_347 = tpu.matmul %convert_element_type3A_339, %convert_element_type3A_345, %dot_general3A_346 {dimension_numbers = #tpu.dot_dimension_numbers<[1], [0], [0], [1], [0, 0, 1, 1], [], []>, transpose_lhs_hint = false} : vector<256x128xbf16>, vector<128x512xbf16>, vector<256x512xf32> -> vector<256x512xf32>
    %add3A_348 = arith.addf %add3A_333, %dot_general3A_347 : vector<256x512xf32>
    %get3A_349 = arith.constant 23 : index
    %get3A_350 = arith.constant 0 : index
    %get3A_351 = arith.constant 0 : index
    %get3A_352 = vector.load %arg2[%get3A_349, %get3A_350, %get3A_351] : memref<26x256x128xf32, #tpu.memory_space<vmem>>, vector<1x256x128xf32>
    %get3A_353 = vector.shape_cast %get3A_352 : vector<1x256x128xf32> to vector<256x128xf32>
    %convert_element_type3A_354 = arith.truncf %get3A_353 : vector<256x128xf32> to vector<256x128xbf16>
    %get3A_355 = arith.constant 23 : index
    %get3A_356 = arith.constant 0 : index
    %get3A_357 = arith.constant 0 : index
    %get3A_358 = vector.load %arg4[%get3A_355, %get3A_356, %get3A_357] : memref<26x128x512xf32, #tpu.memory_space<vmem>>, vector<1x128x512xf32>
    %get3A_359 = vector.shape_cast %get3A_358 : vector<1x128x512xf32> to vector<128x512xf32>
    %convert_element_type3A_360 = arith.truncf %get3A_359 : vector<128x512xf32> to vector<128x512xbf16>
    %dot_general3A_361 = arith.constant dense<0.000000e+00> : vector<256x512xf32>
    %dot_general3A_362 = tpu.matmul %convert_element_type3A_354, %convert_element_type3A_360, %dot_general3A_361 {dimension_numbers = #tpu.dot_dimension_numbers<[1], [0], [0], [1], [0, 0, 1, 1], [], []>, transpose_lhs_hint = false} : vector<256x128xbf16>, vector<128x512xbf16>, vector<256x512xf32> -> vector<256x512xf32>
    %add3A_363 = arith.addf %add3A_348, %dot_general3A_362 : vector<256x512xf32>
    %get3A_364 = arith.constant 24 : index
    %get3A_365 = arith.constant 0 : index
    %get3A_366 = arith.constant 0 : index
    %get3A_367 = vector.load %arg2[%get3A_364, %get3A_365, %get3A_366] : memref<26x256x128xf32, #tpu.memory_space<vmem>>, vector<1x256x128xf32>
    %get3A_368 = vector.shape_cast %get3A_367 : vector<1x256x128xf32> to vector<256x128xf32>
    %convert_element_type3A_369 = arith.truncf %get3A_368 : vector<256x128xf32> to vector<256x128xbf16>
    %get3A_370 = arith.constant 24 : index
    %get3A_371 = arith.constant 0 : index
    %get3A_372 = arith.constant 0 : index
    %get3A_373 = vector.load %arg4[%get3A_370, %get3A_371, %get3A_372] : memref<26x128x512xf32, #tpu.memory_space<vmem>>, vector<1x128x512xf32>
    %get3A_374 = vector.shape_cast %get3A_373 : vector<1x128x512xf32> to vector<128x512xf32>
    %convert_element_type3A_375 = arith.truncf %get3A_374 : vector<128x512xf32> to vector<128x512xbf16>
    %dot_general3A_376 = arith.constant dense<0.000000e+00> : vector<256x512xf32>
    %dot_general3A_377 = tpu.matmul %convert_element_type3A_369, %convert_element_type3A_375, %dot_general3A_376 {dimension_numbers = #tpu.dot_dimension_numbers<[1], [0], [0], [1], [0, 0, 1, 1], [], []>, transpose_lhs_hint = false} : vector<256x128xbf16>, vector<128x512xbf16>, vector<256x512xf32> -> vector<256x512xf32>
    %add3A_378 = arith.addf %add3A_363, %dot_general3A_377 : vector<256x512xf32>
    %get3A_379 = arith.constant 25 : index
    %get3A_380 = arith.constant 0 : index
    %get3A_381 = arith.constant 0 : index
    %get3A_382 = vector.load %arg2[%get3A_379, %get3A_380, %get3A_381] : memref<26x256x128xf32, #tpu.memory_space<vmem>>, vector<1x256x128xf32>
    %get3A_383 = vector.shape_cast %get3A_382 : vector<1x256x128xf32> to vector<256x128xf32>
    %convert_element_type3A_384 = arith.truncf %get3A_383 : vector<256x128xf32> to vector<256x128xbf16>
    %get3A_385 = arith.constant 25 : index
    %get3A_386 = arith.constant 0 : index
    %get3A_387 = arith.constant 0 : index
    %get3A_388 = vector.load %arg4[%get3A_385, %get3A_386, %get3A_387] : memref<26x128x512xf32, #tpu.memory_space<vmem>>, vector<1x128x512xf32>
    %get3A_389 = vector.shape_cast %get3A_388 : vector<1x128x512xf32> to vector<128x512xf32>
    %convert_element_type3A_390 = arith.truncf %get3A_389 : vector<128x512xf32> to vector<128x512xbf16>
    %dot_general3A_391 = arith.constant dense<0.000000e+00> : vector<256x512xf32>
    %dot_general3A_392 = tpu.matmul %convert_element_type3A_384, %convert_element_type3A_390, %dot_general3A_391 {dimension_numbers = #tpu.dot_dimension_numbers<[1], [0], [0], [1], [0, 0, 1, 1], [], []>, transpose_lhs_hint = false} : vector<256x128xbf16>, vector<128x512xbf16>, vector<256x512xf32> -> vector<256x512xf32>
    %add3A_393 = arith.addf %add3A_378, %dot_general3A_392 : vector<256x512xf32>
    %get3A_394 = arith.constant 0 : index
    %get3A_395 = arith.constant 0 : index
    %get3A_396 = vector.load %arg7[%get3A_394, %get3A_395] : memref<1x512xf32, #tpu.memory_space<vmem>>, vector<1x512xf32>
    %add3A_397 = vector.broadcast %get3A_396 : vector<1x512xf32> to vector<256x512xf32>
    %add3A_398 = arith.addf %add3A_393, %add3A_397 : vector<256x512xf32>
    %max3A = arith.constant 0.000000e+00 : f32
    %max3A_399 = vector.broadcast %max3A : f32 to vector<256x512xf32>
    %max3A_400 = arith.maximumf %add3A_398, %max3A_399 : vector<256x512xf32>
    %convert_element_type3A_401 = arith.truncf %max3A_400 : vector<256x512xf32> to vector<256x512xbf16>
    %get3A_402 = arith.constant 0 : index
    %get3A_403 = arith.constant 0 : index
    %get3A_404 = vector.load %arg5[%get3A_402, %get3A_403] : memref<512x512xf32, #tpu.memory_space<vmem>>, vector<512x512xf32>
    %convert_element_type3A_405 = arith.truncf %get3A_404 : vector<512x512xf32> to vector<512x512xbf16>
    %dot_general3A_406 = arith.constant dense<0.000000e+00> : vector<256x512xf32>
    %dot_general3A_407 = tpu.matmul %convert_element_type3A_401, %convert_element_type3A_405, %dot_general3A_406 {dimension_numbers = #tpu.dot_dimension_numbers<[1], [0], [0], [1], [0, 0, 1, 1], [], []>, transpose_lhs_hint = false} : vector<256x512xbf16>, vector<512x512xbf16>, vector<256x512xf32> -> vector<256x512xf32>
    %get3A_408 = arith.constant 0 : index
    %get3A_409 = arith.constant 0 : index
    %get3A_410 = vector.load %arg8[%get3A_408, %get3A_409] : memref<1x512xf32, #tpu.memory_space<vmem>>, vector<1x512xf32>
    %add3A_411 = vector.broadcast %get3A_410 : vector<1x512xf32> to vector<256x512xf32>
    %add3A_412 = arith.addf %dot_general3A_407, %add3A_411 : vector<256x512xf32>
    %max3A_413 = arith.constant 0.000000e+00 : f32
    %max3A_414 = vector.broadcast %max3A_413 : f32 to vector<256x512xf32>
    %max3A_415 = arith.maximumf %add3A_412, %max3A_414 : vector<256x512xf32>
    %get3A_416 = arith.constant 0 : index
    %get3A_417 = arith.constant 0 : index
    %get3A_418 = vector.load %arg6[%get3A_416, %get3A_417] : memref<512x4xf32, #tpu.memory_space<vmem>>, vector<512x4xf32>
    %dot_general3A_419 = arith.constant dense<0.000000e+00> : vector<256x4xf32>
    %dot_general3A_420 = tpu.matmul %max3A_415, %get3A_418, %dot_general3A_419 {dimension_numbers = #tpu.dot_dimension_numbers<[1], [0], [0], [1], [0, 0, 1, 1], [], []>, transpose_lhs_hint = false} : vector<256x512xf32>, vector<512x4xf32>, vector<256x4xf32> -> vector<256x4xf32>
    %get3A_421 = arith.constant 0 : index
    %get3A_422 = arith.constant 0 : index
    %get3A_423 = vector.load %arg9[%get3A_421, %get3A_422] : memref<1x1xf32, #tpu.memory_space<vmem>>, vector<1x1xf32>
    %add3A_424 = vector.broadcast %get3A_423 : vector<1x1xf32> to vector<256x4xf32>
    %add3A_425 = arith.addf %dot_general3A_420, %add3A_424 : vector<256x4xf32>
    %logistic3A = arith.negf %add3A_425 : vector<256x4xf32>
    %logistic3A_426 = math.exp %logistic3A : vector<256x4xf32>
    %logistic3A_427 = arith.constant 1.000000e+00 : f32
    %logistic3A_428 = vector.broadcast %logistic3A_427 : f32 to vector<256x4xf32>
    %logistic3A_429 = arith.addf %logistic3A_428, %logistic3A_426 : vector<256x4xf32>
    %logistic3A_430 = arith.divf %logistic3A_428, %logistic3A_429 : vector<256x4xf32>
    %swap3A = arith.constant 0 : index
    %swap3A_431 = arith.constant 0 : index
    %swap3A_432 = vector.load %arg10[%swap3A, %swap3A_431] : memref<256x4xf32, #tpu.memory_space<vmem>>, vector<256x4xf32>
    tpu.vector_store %arg10[%swap3A, %swap3A_431], %logistic3A_430 {strides = array<i32>} : memref<256x4xf32, #tpu.memory_space<vmem>>, vector<256x4xf32>,
    return
  }
  func.func @transform_0(%arg0: i32) -> (i32, i32) {
    %c0_i32 = arith.constant 0 : i32
    %c0_i32_0 = arith.constant 0 : i32
    return %arg0, %c0_i32 : i32, i32
  }
  func.func @transform_1(%arg0: i32) -> (i32, i32, i32) {
    %c0_i32 = arith.constant 0 : i32
    %c0_i32_0 = arith.constant 0 : i32
    %c0_i32_1 = arith.constant 0 : i32
    return %c0_i32, %arg0, %c0_i32_0 : i32, i32, i32
  }
  func.func @transform_2(%arg0: i32) -> (i32, i32) {
    %c0_i32 = arith.constant 0 : i32
    %c0_i32_0 = arith.constant 0 : i32
    %c0_i32_1 = arith.constant 0 : i32
    return %c0_i32, %c0_i32_0 : i32, i32
  }
  func.func @transform_3(%arg0: i32) -> (i32, i32, i32) {
    %c0_i32 = arith.constant 0 : i32
    %c0_i32_0 = arith.constant 0 : i32
    %c0_i32_1 = arith.constant 0 : i32
    %c0_i32_2 = arith.constant 0 : i32
    return %c0_i32, %c0_i32_0, %c0_i32_1 : i32, i32, i32
  }
  func.func @transform_4(%arg0: i32) -> (i32, i32) {
    %c0_i32 = arith.constant 0 : i32
    %c0_i32_0 = arith.constant 0 : i32
    %c0_i32_1 = arith.constant 0 : i32
    return %c0_i32, %c0_i32_0 : i32, i32
  }
  func.func @transform_5(%arg0: i32) -> (i32, i32) {
    %c0_i32 = arith.constant 0 : i32
    %c0_i32_0 = arith.constant 0 : i32
    %c0_i32_1 = arith.constant 0 : i32
    return %c0_i32, %c0_i32_0 : i32, i32
  }
  func.func @transform_6(%arg0: i32) -> (i32, i32) {
    %c0_i32 = arith.constant 0 : i32
    %c0_i32_0 = arith.constant 0 : i32
    %c0_i32_1 = arith.constant 0 : i32
    return %c0_i32, %c0_i32_0 : i32, i32
  }
  func.func @transform_7(%arg0: i32) -> (i32, i32) {
    %c0_i32 = arith.constant 0 : i32
    %c0_i32_0 = arith.constant 0 : i32
    %c0_i32_1 = arith.constant 0 : i32
    return %c0_i32, %c0_i32_0 : i32, i32
  }
  func.func @transform_8(%arg0: i32) -> (i32, i32) {
    %c0_i32 = arith.constant 0 : i32
    %c0_i32_0 = arith.constant 0 : i32
    %c0_i32_1 = arith.constant 0 : i32
    return %c0_i32, %c0_i32_0 : i32, i32
  }
  func.func @transform_9(%arg0: i32) -> (i32, i32) {
    %c0_i32 = arith.constant 0 : i32
    %c0_i32_0 = arith.constant 0 : i32
    return %arg0, %c0_i32 : i32, i32
  }
}

</mosaic_0001>

<sc_bundles>
// kernel: kernel.5.cloned.1.call-start
scs
__scs_entry_jumppad:
0x0: {  	(pc) =	sbr.rel $0x88, $3  }
0x1: {  	(tag) =	ssettag $0x0;
	lr =	simm.s32 $0x1  }
0x2: {  	[smem:$0x3F98] =	sst lr;
	_ =	strace $0xD0000000  }
0x3: {  	_ = 	snop  }
0x4: {  	_ = 	snop  }
0x5: {  	_ = 	snop  }
0x6: {  	_ = 	snop  }
0x7: {  	_ = 	snop  }
__scs_overlays_trampoline_lowered:
0x8: {  	[smem:$0x3FA7] =	sst s0  }
0x9: {  	[smem:$0x3FA8] =	sst s1  }
0xa: {  	[smem:$0x3FA9] =	sst s2  }
0xb: {  	[smem:$0x3FAA] =	sst s3  }
0xc: {  	[smem:$0x3FAB] =	sst s4  }
0xd: {  	[smem:$0x3FAC] =	sst s5  }
0xe: {  	[smem:$0x3FAD] =	sst s6  }
0xf: {  	[smem:$0x3FAE] =	sst s7  }
0x10: {  	[smem:$0x3FAF] =	sst s8  }
0x11: {  	[smem:$0x3FB0] =	sst s9;
	s0 =	simm.s32 @!p0 $0x0  }
0x12: {  	s1 =	sld [smem:$0x3F96];
	s0 =	simm.s32 @p0 $0x1  }
0x13: {  	[smem:$0x3FB1] =	sst s0;
	s0 =	simm.s32 @!p1 $0x0  }
0x14: {  	s2 =	sld [smem:$0x3F95];
	s0 =	simm.s32 @p1 $0x1  }
0x15: {  	[smem:$0x3FB2] =	sst s0;
	s0 =	simm.s32 @!p2 $0x0  }
0x16: {  	s3 =	sld [smem:$0x3FDB];
	s0 =	simm.s32 @p2 $0x1  }
0x17: {  	s4 =	simm.s32 $0x1BF5;
	[smem:$0x3FB4] =	sst s0  }
0x18: {  	s0 =	sld [smem:$0x3F97];
	_ =	swait.ge [sflag:s4], $0x0  }
0x19: {  	s7 =	sld [smem:$0x3F98]  }
0x1a: {  	s8 =	sadd.s32 $0xFFFFE003, lr  }
0x1b: {  	s9 =	sadd.s32 $0xFFFFFEF7, lr;
	s5 =	simm.s32 $0xFFFFFFFF;
	p2 =	slt.u32 s8, $0xFFFFF086  }
0x1c: {  	p1 =	slt.u32 s9, $0xF7A;
	s5 =	simm.s32 @!p2 $0x0  }
0x1d: {  	s5 =	simm.s32 @p1 $0x1;
	p0 =	seq.s32 s7, s2  }
0x1e: {  	s7 =	smul.u32 @!p0 $0xF7A, s2;
	p2 =	seq.s32 @!p0 s5, $0x0  }
0x1f: {  	s9 =	smul.u32 $0xF7A, s1;
	s8 =	simm.s32 @!p0 $0x1BF5;
	p2 =	por !p2, p0  }
0x20: {  	[sflag:s8] =	ssyncset.s32 @!p0 $0xFFFFF086;
	s6 =	sadd.s32 @!p0 s3, s7;
	s7 =	simm.s32 @!p0 $0x108  }
0x21: {  	s3 =	sadd.s32 s3, s9;
	s6 =	sadd.s32 @!p0 $0x88, s6;
	s7 =	simm.s32 @p2 $0x1082  }
0x22: {  	[simem:s7], [sflag:s8] =	dma.local @!p0 [hbm:s6], $0xF7A  }
0x23: {  	s9 =	sor.u32 $0xD0000000, s2;
	s6 =	simm.s32 $0x108;
	_ =	swait.ge @!p0 [sflag:s8], $0x0  }
0x24: {  	s3 =	sadd.s32 $0x88, s3;
	s6 =	simm.s32 @!p1 $0x1082;
	[sflag:s4] =	ssyncset.s32 $0xFFFFF086  }
0x25: {  	[simem:s6], [sflag:s4] =	dma.local [hbm:s3], $0xF7A  }
0x26: {  	[smem:$0x3F98] =	sst s1;
	(tag) =	ssettag s2;
	_ =	strace s9  }
0x27: {  	s1 =	sld [smem:$0x3FA8]  }
0x28: {  	s2 =	sld [smem:$0x3FA9]  }
0x29: {  	s4 =	sld [smem:$0x3FAB]  }
0x2a: {  	p0 =	seq.s32 s5, $0x0;
	s5 =	sld [smem:$0x3FAC]  }
0x2b: {  	s6 =	sld [smem:$0x3FAD]  }
0x2c: {  	s7 =	sld [smem:$0x3FAE]  }
0x2d: {  	s3 =	simm.s32 $0x108;
	s8 =	sld [smem:$0x3FAF]  }
0x2e: {  	s3 =	simm.s32 @!p0 $0x1082;
	s9 =	sld [smem:$0x3FB0]  }
0x2f: {  	lr =	sadd.s32 s0, s3;
	s0 =	sld [smem:$0x3FA7]  }
0x30: {  	s3 =	sld [smem:$0x3FAA]  }
0x31: {  	[smem:$0x3FB3] =	sst s10  }
0x32: {  	s10 =	sld [smem:$0x3FB1];
	_ =	sdelay $0x3  }
0x33: {  	p0 =	seq.s32 s10, $0x1;
	s10 =	sld [smem:$0x3FB3];
	_ =	sdelay $0x3  }
0x34: {  	[smem:$0x3FB3] =	sst s10  }
0x35: {  	s10 =	sld [smem:$0x3FB2];
	_ =	sdelay $0x3  }
0x36: {  	p1 =	seq.s32 s10, $0x1;
	s10 =	sld [smem:$0x3FB3];
	_ =	sdelay $0x3  }
0x37: {  	[smem:$0x3FB3] =	sst s10  }
0x38: {  	s10 =	sld [smem:$0x3FB4]  }
0x39: {  	_ = 	snop;
	(pc) =	sbr.ind lr, $3  }
0x3a: {  	_ = 	snop  }
0x3b: {  	_ = 	snop  }
0x3c: {  	p2 =	seq.s32 s10, $0x1;
	s10 =	sld [smem:$0x3FB3]  }
0x3d: {  	_ =	shalt  }
0x3e: {  	_ =	shalt  }
0x3f: {  	_ =	shalt  }
0x40: {  	_ =	shalt  }
0x41: {  	_ =	shalt  }
0x42: {  	_ =	shalt  }
0x43: {  	_ =	shalt  }
0x44: {  	_ =	shalt  }
0x45: {  	_ =	shalt  }
0x46: {  	_ =	shalt  }
0x47: {  	_ =	shalt  }
0x48: {  	_ =	shalt  }
0x49: {  	_ =	shalt  }
0x4a: {  	_ =	shalt  }
0x4b: {  	_ =	shalt  }
0x4c: {  	_ =	shalt  }
0x4d: {  	_ =	shalt  }
0x4e: {  	_ =	shalt  }
0x4f: {  	_ =	shalt  }
0x50: {  	_ =	shalt  }
0x51: {  	_ =	shalt  }
0x52: {  	_ =	shalt  }
0x53: {  	_ =	shalt  }
0x54: {  	_ =	shalt  }
0x55: {  	_ =	shalt  }
0x56: {  	_ =	shalt  }
0x57: {  	_ =	shalt  }
0x58: {  	_ =	shalt  }
0x59: {  	_ =	shalt  }
0x5a: {  	_ =	shalt  }
0x5b: {  	_ =	shalt  }
0x5c: {  	_ =	shalt  }
0x5d: {  	_ =	shalt  }
0x5e: {  	_ =	shalt  }
0x5f: {  	_ =	shalt  }
0x60: {  	_ =	shalt  }
0x61: {  	_ =	shalt  }
0x62: {  	_ =	shalt  }
0x63: {  	_ =	shalt  }
0x64: {  	_ =	shalt  }
0x65: {  	_ =	shalt  }
0x66: {  	_ =	shalt  }
0x67: {  	_ =	shalt  }
0x68: {  	_ =	shalt  }
0x69: {  	_ =	shalt  }
0x6a: {  	_ =	shalt  }
0x6b: {  	_ =	shalt  }
0x6c: {  	_ =	shalt  }
0x6d: {  	_ =	shalt  }
0x6e: {  	_ =	shalt  }
0x6f: {  	_ =	shalt  }
0x70: {  	_ =	shalt  }
0x71: {  	_ =	shalt  }
0x72: {  	_ =	shalt  }
0x73: {  	_ =	shalt  }
0x74: {  	_ =	shalt  }
0x75: {  	_ =	shalt  }
0x76: {  	_ =	shalt  }
0x77: {  	_ =	shalt  }
0x78: {  	_ =	shalt  }
0x79: {  	_ =	shalt  }
0x7a: {  	_ =	shalt  }
0x7b: {  	_ =	shalt  }
0x7c: {  	_ =	shalt  }
0x7d: {  	_ =	shalt  }
0x7e: {  	_ =	shalt  }
0x7f: {  	_ =	shalt  }
0x80: {  	_ =	shalt  }
0x81: {  	_ =	shalt  }
0x82: {  	_ =	shalt  }
0x83: {  	_ =	shalt  }
0x84: {  	_ =	shalt  }
0x85: {  	_ =	shalt  }
0x86: {  	_ =	shalt  }
0x87: {  	_ =	shalt  }
.Lfunc_end0:
.L_simem_size_0:
called_computation_lowered:
.L_overlay_start_0:
0x88: {  	s2 =	sld [smem:$0x3FD9]  }
0x89: {  	s3 =	sld [smem:$0x3FFE];
	_ =	sdelay $0x1  }
0x8a: {  	s1 =	srdreg.scid  }
0x8b: {  	s0 =	sand.u32 $0x1, s1  }
0x8c: {  	s16 =	sshll.u32 s0, $0xA;
	s2 =	sadd.s32 s3, s2  }
0x8d: {  	s2 =	sadd.s32 s2, s16  }
0x8e: {  	[smem:$0x3FBF] =	sst s2  }
0x8f: {  	_ = 	snop  }
0x90: {  	(tm) =	ssettm $0x1  }
0x91: {  	s17 =	sld [smem:$0x3FFB];
	_ =	sdelay $0x3  }
0x92: {  	_ =	strace s17  }
0x93: {  	s2 =	sld [smem:$0x3FFC];
	_ =	sdelay $0x3  }
0x94: {  	_ =	strace s2  }
0x95: {  	s2 =	sld [smem:$0x3FFD];
	_ =	sdelay $0x3  }
0x96: {  	_ =	strace s2  }
0x97: {  	_ =	strace $0x8FFFFFFF  }
0x98: {  	s18 =	sld [smem:$0x3FDB];
	_ =	sdelay $0x1  }
0x99: {  	s19 =	simm.s32 $_scs_section_size  }
0x9a: {  	s4 =	simm.s32 $_size__tile_overlayer_lowered;
	s5 =	simm.s32 $_tile_overlayer_lowered  }
0x9b: {  	s22 =	simm.s32 $0x1BFF;
	s21 =	sshll.u32 s5, $0x1;
	s2 =	sadd.s32 s19, s18  }
0x9c: {  	s6 =	simm.s32 $0x0;
	s20 =	sshll.u32 s4, $0x1;
	s4 =	sadd.s32 s21, s2  }
0x9d: {  	[timem:s6], [sflag:s22] =	dma.local [hbm:s4], s20  }
0x9e: {  	_ =	swait.ge [sflag:s22], s20  }
0x9f: {  	s3 =	ssub.s32 $0x0, s20;
	[sflag:s22] =	ssyncset.done $0x0  }
0xa0: {  	[sflag:s22] =	ssyncadd.s32 s3;
	_ =	sdelay $0x1  }
0xa1: {  	s23 =	simm.s32 $0x1B8B  }
0xa2: {  	_ =	swait.ge [sflag:s23], $0x1  }
0xa3: {  	[sflag:s23] =	ssyncset.done $0x0  }
0xa4: {  	s25 =	simm.s32 $0x1B8E;
	s24 =	sld [smem:$0x3FFE];
	[sflag:s23] =	ssyncadd.s32 $0xFFFFFFFF  }
0xa5: {  	s26 =	simm.s32 $execute0_lowered;
	[smem:$0x3FD2] =	sst s25  }
0xa6: {  	s4 =	sshll.u32 s26, $0x1;
	_ =	strace $0x80000046;
	[dreg:$0x1] =	wrdreg $0xFFFFFFFF  }
0xa7: {  	s28 =	simm.s32 $_size_execute0_lowered;
	s2 =	sadd.s32 s2, s4;
	[dreg:$0x0] =	wrdreg $0x0  }
0xa8: {  	s4 =	sshll.u32 s28, $0x1;
	[dreg:$0x2] =	wrdreg s2  }
0xa9: {  	[dreg:$0x3] =	wrdreg s4  }
0xaa: {  	[dreg:$0x4] =	wrdreg $0xC0  }
0xab: {  	_ =	task [dreg:s6], $0x5FFFF  }
0xac: {  	[dreg:$0x1] =	wrdreg $0xFFFFFFFF  }
0xad: {  	[dreg:$0x0] =	wrdreg $0x60  }
0xae: {  	[dreg:$0x2] =	wrdreg s24  }
0xaf: {  	[dreg:$0x3] =	wrdreg $0x9  }
0xb0: {  	_ =	task.clear_ibuf [dreg:s6], $0x4FFFF;
	_ =	strace $0x90000046  }
0xb1: {  	s29 =	simm.s32 $0x9;
	_ =	strace $0x80000048  }
0xb2: {  	_ =	swait.ge [sflag:s29], $0x1  }
0xb3: {  	[sflag:s29] =	ssyncadd.s32 $0xFFFFFFFF  }
0xb4: {  	_ =	strace $0x90000048  }
0xb5: {  	_ =	sfence  }
0xb6: {  	s30 =	sld [smem:$0x0];
	_ =	sdelay $0x2  }
0xb7: {  	s31 =	sshll.u32 s1, $0xD;
	s1 =	sshrl.u32 s1, $0x2  }
0xb8: {  	s3 =	sand.u32 $0x4000, s31;
	s1 =	sadd.s32 s1, s30  }
0xb9: {  	s0 =	sor.u32 s3, s0;
	s1 =	sshll.u32 s1, $0x11  }
0xba: {  	s0 =	sor.u32 s1, s0  }
0xbb: {  	s0 =	sadd.s32 $0x8F2B, s0  }
0xbc: {  	[sflag:s0] =	ssyncadd.remote.s32 $0x1  }
0xbd: {  	_ =	sfence.sel $0xFFFF  }
0xbe: {  	[dreg:$0x0] =	wrdreg $0xFFFFFFFF;
	(pc) =	sbr.abs _section_cstart, $3  }
0xbf: {  	[dreg:$0x1] =	wrdreg $0xFFFFFFFF  }
0xc0: {  	_ =	task.clear_ibuf [dreg:s6], $0x2FFFF;
	_ =	strace $0x9FFFFFFF  }
0xc1: {  	(tm) =	ssettm $0x7FFFFFFF  }
tec
execute0_lowered:
.L_overlay_start_1:
0x0: {  	(tag) =	ssettag $0x1  }
0x1: {  	s4 =	rddreg [dreg:$0x0]  }
0x2: {  	s0 =	rddreg [dreg:$0x1];
	s3 =	srdreg.scid  }
0x3: {  	s1 =	stileid.u32;
	s2 =	simm.s32 $0x0;
	s10 =	simm.s32 $0x4400  }
0x4: {  	s11 =	simm.s32 $0x5400;
	s12 =	simm.s32 $0x6400;
	s13 =	simm.s32 $0x7400  }
0x5: {  	s14 =	simm.s32 $0x8400;
	s15 =	simm.s32 $0x9400;
	s16 =	simm.s32 $0xA400  }
0x6: {  	s17 =	simm.s32 $0x1;
	s18 =	simm.s32 $0x0;
	s3 =	sand.u32 $0x1, s3  }
0x7: {  	s5 =	smul.u32 $0xD0000, s1;
	[smem:$0x7FF] =	sst s2;
	s6 =	sshll.u32 s1, $0x1  }
0x8: {  	s7 =	smul.u32 $0x68000, s3;
	s6 =	sor.u32 s3, s6;
	s30 =	ssub.s32 $0x2, s3  }
0x9: {  	_ =	strace $0x80000047;
	s6 =	smul.u32 $0x680, s6;
	s8 =	sshrl.u32 s30, $0x1  }
0xa: {  	s3 =	sadd.s32 $0x1800, s4;
	s5 =	sadd.s32 s7, s5;
	s31 =	ssub.s32 s30, s8  }
0xb: {  	s7 =	simm.s32 $0x2;
	s5 =	sshrl.u32 s5, $0x3;
	s6 =	sadd.s32 s6, s4  }
0xc: {  	s8 =	simm.s32 $0x80;
	s9 =	sadd.s32 s5, s4;
	s4 =	sadd.s32 $0xA29800, s6  }
0xd: {  	s5 =	smax.u32 s31, $0x1;
	s6 =	sadd.s32 $0xA36800, s9;
	s9 =	simm.s32 $0x3400  }
.LBB2_1:
0xe: {  	[tilespmem:s2], [sflag:$0x2] =	stream.linear.gather [hbm4b:s4+s2], $0x3400, $0x38;
	[tilespmem:$0xB400] =	vst v63  }
0xf: {  	_ =	swait.ge [sflag:s7], $0x3400  }
0x10: {  	[sflag:s7] =	ssyncset.done $0x0  }
0x11: {  	s19 =	simm.s32 $0x0;
	[sflag:s7] =	ssyncadd.s32 $0xFFFFCC00  }
0x12: {  	[tilespmem:s9], [sflag:$0x1] =	stream.indirect.gather [hbm4b:s3+s8], $0x20, s19, s8, $0xb8;
	[tilespmem:$0xB400] =	vst v63  }
0x13: {  	s23 =	simm.s32 $0x80  }
0x14: {  	[tilespmem:s10], [sflag:$0x1] =	stream.indirect.gather [hbm4b:s3+s8], $0x20, s23, s8, $0xb8;
	[tilespmem:$0xB400] =	vst v63  }
0x15: {  	s24 =	simm.s32 $0x100  }
0x16: {  	[tilespmem:s11], [sflag:$0x1] =	stream.indirect.gather [hbm4b:s3+s8], $0x20, s24, s8, $0xb8;
	[tilespmem:$0xB400] =	vst v63  }
0x17: {  	s25 =	simm.s32 $0x180  }
0x18: {  	[tilespmem:s12], [sflag:$0x1] =	stream.indirect.gather [hbm4b:s3+s8], $0x20, s25, s8, $0xb8;
	[tilespmem:$0xB400] =	vst v63  }
0x19: {  	s26 =	simm.s32 $0x200  }
0x1a: {  	[tilespmem:s13], [sflag:$0x1] =	stream.indirect.gather [hbm4b:s3+s8], $0x20, s26, s8, $0xb8;
	[tilespmem:$0xB400] =	vst v63  }
0x1b: {  	s28 =	simm.s32 $0x280  }
0x1c: {  	[tilespmem:s14], [sflag:$0x1] =	stream.indirect.gather [hbm4b:s3+s8], $0x20, s28, s8, $0xb8;
	[tilespmem:$0xB400] =	vst v63  }
0x1d: {  	s29 =	simm.s32 $0x300  }
0x1e: {  	[tilespmem:s15], [sflag:$0x1] =	stream.indirect.gather [hbm4b:s3+s8], $0x20, s29, s8, $0xb8;
	[tilespmem:$0xB400] =	vst v63  }
0x1f: {  	s30 =	simm.s32 $0x380  }
0x20: {  	[tilespmem:s16], [sflag:$0x1] =	stream.indirect.gather [hbm4b:s3+s8], $0x20, s30, s8, $0xb8;
	[tilespmem:$0xB400] =	vst v63  }
0x21: {  	_ =	swait.ge [sflag:s17], $0x1000  }
0x22: {  	[sflag:s17] =	ssyncset.done $0x0  }
0x23: {  	[sflag:s17] =	ssyncadd.s32 $0xFFFFF000  }
0x24: {  	_ =	swait.ge [sflag:s17], $0x1000  }
0x25: {  	[sflag:s17] =	ssyncset.done $0x0  }
0x26: {  	[sflag:s17] =	ssyncadd.s32 $0xFFFFF000  }
0x27: {  	_ =	swait.ge [sflag:s17], $0x1000  }
0x28: {  	[sflag:s17] =	ssyncset.done $0x0  }
0x29: {  	[sflag:s17] =	ssyncadd.s32 $0xFFFFF000  }
0x2a: {  	_ =	swait.ge [sflag:s17], $0x1000  }
0x2b: {  	[sflag:s17] =	ssyncset.done $0x0  }
0x2c: {  	[sflag:s17] =	ssyncadd.s32 $0xFFFFF000  }
0x2d: {  	_ =	swait.ge [sflag:s17], $0x1000  }
0x2e: {  	[sflag:s17] =	ssyncset.done $0x0  }
0x2f: {  	[sflag:s17] =	ssyncadd.s32 $0xFFFFF000  }
0x30: {  	_ =	swait.ge [sflag:s17], $0x1000  }
0x31: {  	[sflag:s17] =	ssyncset.done $0x0  }
0x32: {  	[sflag:s17] =	ssyncadd.s32 $0xFFFFF000  }
0x33: {  	_ =	swait.ge [sflag:s17], $0x1000  }
0x34: {  	[sflag:s17] =	ssyncset.done $0x0  }
0x35: {  	[sflag:s17] =	ssyncadd.s32 $0xFFFFF000  }
0x36: {  	_ =	swait.ge [sflag:s17], $0x1000  }
0x37: {  	[sflag:s17] =	ssyncset.done $0x0  }
0x38: {  	s31 =	sadd.s32 $0x0, s6;
	[sflag:s17] =	ssyncadd.s32 $0xFFFFF000  }
0x39: {  	[hbm4b:s31+s2] =	stream.linear.scatter [tilespmem:s9], [sflag:$0x2], $0x8000, $0x38;
	[tilespmem:$0xB400] =	vst v63  }
0x3a: {  	_ =	swait.ge [sflag:s7], $0x8000  }
0x3b: {  	s22 =	simm.s32 $0x2000;
	s19 =	simm.s32 $0x1000;
	[sflag:s7] =	ssyncset.done $0x0  }
.LBB2_2:
0x3c: {  	s23 =	sshra.s32 s19, $0x2  }
0x3d: {  	[sflag:s7] =	ssyncadd.s32 $0xFFFF8000;
	s21 =	smov.u32 s22;
	s20 =	sadd.s32 $0x1000, s22  }
0x3e: {  	[tilespmem:s9], [sflag:$0x1] =	stream.indirect.gather [hbm4b:s3+s8], $0x20, s23, s8, $0xb8;
	[tilespmem:$0xB400] =	vst v63  }
0x3f: {  	p0 =	sne.s32 s22, $0xC000;
	s22 =	sadd.s32 $0x80, s23  }
0x40: {  	[tilespmem:s10], [sflag:$0x1] =	stream.indirect.gather [hbm4b:s3+s8], $0x20, s22, s8, $0xb8;
	[tilespmem:$0xB400] =	vst v63  }
0x41: {  	s22 =	sadd.s32 $0x100, s23  }
0x42: {  	[tilespmem:s11], [sflag:$0x1] =	stream.indirect.gather [hbm4b:s3+s8], $0x20, s22, s8, $0xb8;
	[tilespmem:$0xB400] =	vst v63  }
0x43: {  	s22 =	sadd.s32 $0x180, s23  }
0x44: {  	[tilespmem:s12], [sflag:$0x1] =	stream.indirect.gather [hbm4b:s3+s8], $0x20, s22, s8, $0xb8;
	[tilespmem:$0xB400] =	vst v63  }
0x45: {  	s22 =	sadd.s32 $0x200, s23  }
0x46: {  	[tilespmem:s13], [sflag:$0x1] =	stream.indirect.gather [hbm4b:s3+s8], $0x20, s22, s8, $0xb8;
	[tilespmem:$0xB400] =	vst v63  }
0x47: {  	s22 =	sadd.s32 $0x280, s23  }
0x48: {  	[tilespmem:s14], [sflag:$0x1] =	stream.indirect.gather [hbm4b:s3+s8], $0x20, s22, s8, $0xb8;
	[tilespmem:$0xB400] =	vst v63  }
0x49: {  	s22 =	sadd.s32 $0x300, s23  }
0x4a: {  	[tilespmem:s15], [sflag:$0x1] =	stream.indirect.gather [hbm4b:s3+s8], $0x20, s22, s8, $0xb8;
	[tilespmem:$0xB400] =	vst v63  }
0x4b: {  	s22 =	sadd.s32 $0x380, s23  }
0x4c: {  	[tilespmem:s16], [sflag:$0x1] =	stream.indirect.gather [hbm4b:s3+s8], $0x20, s22, s8, $0xb8;
	[tilespmem:$0xB400] =	vst v63  }
0x4d: {  	_ =	swait.ge [sflag:s17], $0x1000  }
0x4e: {  	[sflag:s17] =	ssyncset.done $0x0  }
0x4f: {  	[sflag:s17] =	ssyncadd.s32 $0xFFFFF000  }
0x50: {  	_ =	swait.ge [sflag:s17], $0x1000  }
0x51: {  	[sflag:s17] =	ssyncset.done $0x0  }
0x52: {  	[sflag:s17] =	ssyncadd.s32 $0xFFFFF000  }
0x53: {  	_ =	swait.ge [sflag:s17], $0x1000  }
0x54: {  	[sflag:s17] =	ssyncset.done $0x0  }
0x55: {  	[sflag:s17] =	ssyncadd.s32 $0xFFFFF000  }
0x56: {  	_ =	swait.ge [sflag:s17], $0x1000  }
0x57: {  	[sflag:s17] =	ssyncset.done $0x0  }
0x58: {  	[sflag:s17] =	ssyncadd.s32 $0xFFFFF000  }
0x59: {  	_ =	swait.ge [sflag:s17], $0x1000  }
0x5a: {  	[sflag:s17] =	ssyncset.done $0x0  }
0x5b: {  	[sflag:s17] =	ssyncadd.s32 $0xFFFFF000  }
0x5c: {  	_ =	swait.ge [sflag:s17], $0x1000  }
0x5d: {  	[sflag:s17] =	ssyncset.done $0x0  }
0x5e: {  	[sflag:s17] =	ssyncadd.s32 $0xFFFFF000  }
0x5f: {  	_ =	swait.ge [sflag:s17], $0x1000  }
0x60: {  	[sflag:s17] =	ssyncset.done $0x0  }
0x61: {  	[sflag:s17] =	ssyncadd.s32 $0xFFFFF000  }
0x62: {  	_ =	swait.ge [sflag:s17], $0x1000  }
.Ltmp0:
0x63: {  	[sflag:s17] =	ssyncset.done $0x0;
	(pc) =	sbr.rel @p0 .LBB2_2-.Ltmp0, $4  }
0x64: {  	s22 =	sadd.s32 s19, s6;
	s19 =	smov.u32 s21;
	[sflag:s17] =	ssyncadd.s32 $0xFFFFF000  }
0x65: {  	[hbm4b:s22+s2] =	stream.linear.scatter [tilespmem:s9], [sflag:$0x2], $0x8000, $0x38;
	[tilespmem:$0xB400] =	vst v63  }
0x66: {  	_ =	swait.ge [sflag:s7], $0x8000  }
0x67: {  	s22 =	smov.u32 s20;
	[sflag:s7] =	ssyncset.done $0x0  }
0x68: {  	s20 =	sshra.s32 s19, $0x2;
	[sflag:s7] =	ssyncadd.s32 $0xFFFF8000  }
0x69: {  	[tilespmem:s9], [sflag:$0x1] =	stream.indirect.gather [hbm4b:s3+s8], $0x20, s20, s8, $0xb8;
	[tilespmem:$0xB400] =	vst v63  }
0x6a: {  	s21 =	sadd.s32 $0x80, s20  }
0x6b: {  	[tilespmem:s10], [sflag:$0x1] =	stream.indirect.gather [hbm4b:s3+s8], $0x20, s21, s8, $0xb8;
	[tilespmem:$0xB400] =	vst v63  }
0x6c: {  	s25 =	sadd.s32 $0x100, s20  }
0x6d: {  	[tilespmem:s11], [sflag:$0x1] =	stream.indirect.gather [hbm4b:s3+s8], $0x20, s25, s8, $0xb8;
	[tilespmem:$0xB400] =	vst v63  }
0x6e: {  	s26 =	sadd.s32 $0x180, s20  }
0x6f: {  	[tilespmem:s12], [sflag:$0x1] =	stream.indirect.gather [hbm4b:s3+s8], $0x20, s26, s8, $0xb8;
	[tilespmem:$0xB400] =	vst v63  }
0x70: {  	s28 =	sadd.s32 $0x200, s20  }
0x71: {  	[tilespmem:s13], [sflag:$0x1] =	stream.indirect.gather [hbm4b:s3+s8], $0x20, s28, s8, $0xb8;
	[tilespmem:$0xB400] =	vst v63  }
0x72: {  	s29 =	sadd.s32 $0x280, s20  }
0x73: {  	[tilespmem:s14], [sflag:$0x1] =	stream.indirect.gather [hbm4b:s3+s8], $0x20, s29, s8, $0xb8;
	[tilespmem:$0xB400] =	vst v63  }
0x74: {  	s30 =	sadd.s32 $0x300, s20  }
0x75: {  	[tilespmem:s15], [sflag:$0x1] =	stream.indirect.gather [hbm4b:s3+s8], $0x20, s30, s8, $0xb8;
	[tilespmem:$0xB400] =	vst v63  }
0x76: {  	s20 =	sadd.s32 $0x380, s20  }
0x77: {  	[tilespmem:s16], [sflag:$0x1] =	stream.indirect.gather [hbm4b:s3+s8], $0x20, s20, s8, $0xb8;
	[tilespmem:$0xB400] =	vst v63  }
0x78: {  	_ =	swait.ge [sflag:s17], $0x1000  }
0x79: {  	[sflag:s17] =	ssyncset.done $0x0  }
0x7a: {  	[sflag:s17] =	ssyncadd.s32 $0xFFFFF000  }
0x7b: {  	_ =	swait.ge [sflag:s17], $0x1000  }
0x7c: {  	[sflag:s17] =	ssyncset.done $0x0  }
0x7d: {  	[sflag:s17] =	ssyncadd.s32 $0xFFFFF000  }
0x7e: {  	_ =	swait.ge [sflag:s17], $0x1000  }
0x7f: {  	[sflag:s17] =	ssyncset.done $0x0  }
0x80: {  	[sflag:s17] =	ssyncadd.s32 $0xFFFFF000  }
0x81: {  	_ =	swait.ge [sflag:s17], $0x1000  }
0x82: {  	[sflag:s17] =	ssyncset.done $0x0  }
0x83: {  	[sflag:s17] =	ssyncadd.s32 $0xFFFFF000  }
0x84: {  	_ =	swait.ge [sflag:s17], $0x1000  }
0x85: {  	[sflag:s17] =	ssyncset.done $0x0  }
0x86: {  	[sflag:s17] =	ssyncadd.s32 $0xFFFFF000  }
0x87: {  	_ =	swait.ge [sflag:s17], $0x1000  }
0x88: {  	[sflag:s17] =	ssyncset.done $0x0  }
0x89: {  	[sflag:s17] =	ssyncadd.s32 $0xFFFFF000  }
0x8a: {  	_ =	swait.ge [sflag:s17], $0x1000  }
0x8b: {  	[sflag:s17] =	ssyncset.done $0x0  }
0x8c: {  	[sflag:s17] =	ssyncadd.s32 $0xFFFFF000  }
0x8d: {  	s18 =	sadd.s32 $0x1, s18;
	_ =	swait.ge [sflag:s17], $0x1000  }
0x8e: {  	p0 =	sne.s32 s18, s5;
	[sflag:s17] =	ssyncset.done $0x0  }
.Ltmp1:
0x8f: {  	s31 =	sadd.s32 s19, s6;
	[sflag:s17] =	ssyncadd.s32 $0xFFFFF000;
	(pc) =	sbr.rel @p0 .LBB2_1-.Ltmp1, $4  }
0x90: {  	[hbm4b:s31+s2] =	stream.linear.scatter [tilespmem:s9], [sflag:$0x2], $0x8000, $0x38;
	[tilespmem:$0xB400] =	vst v63  }
0x91: {  	_ =	swait.ge [sflag:s7], $0x8000  }
0x92: {  	[sflag:s7] =	ssyncset.done $0x0  }
0x93: {  	[sflag:s7] =	ssyncadd.s32 $0xFFFF8000  }
0x94: {  	_ =	sfence.sel $0x180000  }
0x95: {  	[bflag:$0x0] =	sbarrier.arrive $0xFFFF  }
0x96: {  	p0 =	sne.s32 s1, $0x0;
	_ =	strace $0x90000047  }
0x97: {  	s0 =	sadd.s32 @!p0 $0x100000, s0;
	[bflag:$0x2] =	sbarrier.arrive $0xFFFF  }
0x98: {  	[sflag:s0] =	ssyncadd.tile.s32 @!p0 $0x1;
	_ =	shalt  }
.Lfunc_end2:
_tile_overlayer_lowered:
.L_overlay_start_2:
0x99: {  	(tag) =	ssettag $0x2  }
0x9a: {  	s0 =	rddreg [dreg:$0x0];
	s2 =	stileid.u32  }
0x9b: {  	s1 =	rddreg [dreg:$0x1];
	p0 =	sne.s32 s2, $0x0  }
0x9c: {  	s3 =	rddreg [dreg:$0x2];
	[bflag:$0x3] =	sbarrier.arrive $0xFFFF;
	s2 =	simm.s32 @!p0 $0x1C02  }
0x9d: {  	[timem:s3], [sflag:s2] =	dma.local @!p0 [hbm:s0], s1  }
0x9e: {  	s0 =	simm.s32 @!p0 $0x2  }
0x9f: {  	_ =	swait.ge @!p0 [sflag:s0], s1  }
0xa0: {  	s1 =	ssub.s32 @!p0 $0x0, s1;
	[sflag:s0] =	ssyncset.done @!p0 $0x0  }
0xa1: {  	[sflag:s0] =	ssyncadd.s32 @!p0 s1  }
0xa2: {  	[bflag:$0x3] =	sbarrier.arrive $0xFFFF  }
0xa3: {  	_ =	shalt  }

</sc_bundles>
